<compile_context>
chip_gen: v7x
topology: tpu7x:2x2x1
jax: 0.10.2.dev20260603
libtpu: 0.0.44.dev20260713+nightly
codegen_flags: <defaults>
</compile_context>

<pallas_src>
import jax
import jax.numpy as jnp
from jax import lax
from jax.experimental import pallas as pl
from jax.experimental.pallas import tpu as pltpu
from jax.experimental.pallas import tpu_sc as plsc

BATCH = 128
CHANNELS = 32
ENV = 128
CS = 33
CC = 16
NC = 2
NS = 16
NW = NC * NS
BPW = BATCH // NW
CH_CHUNK = 16
N_CHUNKS = CHANNELS // CH_CHUNK
FETCH_W = 48
BUF_W = 96
MROW_W = 48
CH_OUT = CS * CS
BLK_OUT = CH_CHUNK * CH_OUT
OBUF_W = BLK_OUT + 24


def _sc_body(x_hbm, scal_hbm, mpad_hbm, out_hbm, buf, obuf, scal_v, mask_v):
    wid = lax.axis_index("s") * NC + lax.axis_index("c")

    pltpu.sync_copy(mpad_hbm, mask_v)
    pltpu.sync_copy(scal_hbm.at[pl.ds(wid * BPW, BPW)], scal_v)

    def zero_row(i, _):
        for ch in range(CH_CHUNK):
            for k in (0, 4, 5):
                buf[ch, i, pl.ds(16 * k, 16)] = jnp.zeros((16,), jnp.float32)
        return _

    lax.fori_loop(0, CS, zero_row, None)

    def batch_body(bi, _):
        srow = scal_v[bi]
        rs2 = srow[0]
        du = srow[1]
        cs2 = pl.multiple_of(srow[2], 16)
        dv = srow[3]
        b = wid * BPW + bi

        def chunk_body(cc, _):
            pltpu.sync_copy(
                x_hbm.at[
                    b,
                    pl.ds(cc * CH_CHUNK, CH_CHUNK),
                    pl.ds(rs2, CS),
                    pl.ds(cs2, FETCH_W),
                ],
                buf.at[:, :, pl.ds(CC, FETCH_W)],
            )

            def ch_body(ch, _):
                def compute_row(i, _):
                    jb = jnp.clip(i + du, 0, CS - 1)
                    img_row = rs2 + du + i
                    vi = jnp.where(
                        jnp.logical_and(img_row >= 0, img_row < ENV), 1.0, 0.0
                    ).astype(jnp.float32)
                    obase = ch * CH_OUT + i * CS
                    rbase = CC + dv
                    for k in range(3):
                        mk = mask_v[i, pl.ds(16 * k, 16)] * vi
                        obuf[pl.ds(obase + 16 * k, 16)] = (
                            buf[ch, jb, pl.ds(rbase + 16 * k, 16)] * mk
                        )
                    return _

                lax.fori_loop(0, CS, compute_row, None)
                return _

            lax.fori_loop(0, CH_CHUNK, ch_body, None)

            pltpu.sync_copy(
                obuf.at[pl.ds(0, BLK_OUT)],
                out_hbm.at[b, pl.ds(cc * BLK_OUT, BLK_OUT)],
            )
            return _

        lax.fori_loop(0, N_CHUNKS, chunk_body, None)
        return _

    lax.fori_loop(0, BPW, batch_body, None)


@jax.jit
def _hexcrop_sc(input_tensor, scal, mpad):
    mesh = plsc.VectorSubcoreMesh(
        core_axis_name="c", subcore_axis_name="s", num_cores=NC, num_subcores=NS
    )
    f = pl.kernel(
        _sc_body,
        out_type=jax.ShapeDtypeStruct((BATCH, CHANNELS * CH_OUT), jnp.float32),
        mesh=mesh,
        scratch_types=[
            pltpu.VMEM((CH_CHUNK, CS, BUF_W), jnp.float32),
            pltpu.VMEM((OBUF_W,), jnp.float32),
            pltpu.VMEM((BPW, 16), jnp.int32),
            pltpu.VMEM((CS, MROW_W), jnp.float32),
        ],
        compiler_params=pltpu.CompilerParams(use_tc_tiling_on_sc=False),
    )
    return f(input_tensor, scal, mpad)


def kernel(input_tensor, center_positions, mask, crop_mask):
    u = center_positions[:, 0].astype(jnp.int32)
    v = center_positions[:, 1].astype(jnp.int32)
    rs2 = jnp.clip(u - CC, 0, ENV - CS)
    du = (u - CC) - rs2
    cs2 = jnp.clip(v - CC, 0, ENV - FETCH_W) & ~15
    dv = (v - CC) - cs2
    scal = jnp.zeros((BATCH, 16), jnp.int32)
    scal = (
        scal.at[:, 0].set(rs2).at[:, 1].set(du).at[:, 2].set(cs2).at[:, 3].set(dv)
    )

    m_eff = jnp.where(mask, crop_mask, jnp.ones_like(crop_mask))
    mpad = jnp.zeros((CS, MROW_W), jnp.float32).at[:, :CS].set(m_eff)

    out = _hexcrop_sc(input_tensor, scal, mpad)
    out = out.reshape(BATCH, CHANNELS, CS, CS)
    return (out, crop_mask)

# --- scband reference (transcript-rebuilt; emitter-appended) ---
"""Pipeline reference for scband-hex-crop-50964081935402 (READ-ONLY COPY).

The authoritative reference and input builder live on the scoring server;
editing this copy changes nothing except your own understanding.
"""

import jax, jax.numpy as jnp
import numpy as np
import math

FOG_END = 100.0
UNITY_COORDS_SCALE = 5.0
CROP_SIZE = 33
FOV = 120.0
BATCH = 128
CHANNELS = 32
ENV = 128

_BASIS = np.array([[1.0, 0.5], [0.0, np.sqrt(3) / 2]])

def _get_cartesian(coords):
    return _BASIS @ np.array(coords, dtype=np.float64)

def _get_degrees(center, target):
    c = _get_cartesian(center)
    t = _get_cartesian(target)
    diff = t - c
    return math.degrees(math.atan2(diff[1], diff[0])) % 360

def _get_distance(target, center):
    diff = _get_cartesian(center) - _get_cartesian(target)
    return float(np.sqrt(np.sum(diff ** 2)))

def _coordinate_is_visible(u, v, special_cases, center_coord, fov):
    if (u, v) in special_cases or (u, v) == center_coord:
        return True
    view_depth = FOG_END / UNITY_COORDS_SCALE + 0.5
    if _get_distance((u, v), center_coord) > view_depth:
        return False
    degrees_to = _get_degrees(center_coord, (u, v))
    left = -fov / 2 % 360
    right = fov / 2 % 360
    if left < right:
        return left <= degrees_to <= right
    else:
        return left <= degrees_to or degrees_to <= right

def _get_crop_mask(kernel_size, fov):
    mask = np.ones((kernel_size, kernel_size), dtype=np.float32)
    c = (kernel_size - 1) // 2
    special_cases = [(c + 1, c - 1), (c, c + 1)]
    center_coord = (c, c)
    for u in range(kernel_size):
        for v in range(kernel_size):
            mask[u, v] = 1.0 if _coordinate_is_visible(u, v, special_cases, center_coord, fov) else 0.0
    return jnp.asarray(mask)

def setup_inputs(seed: int = 0) -> dict:
    key = jax.random.key(seed)
    k1, k2 = jax.random.split(key)
    input_tensor = jax.random.normal(k1, (BATCH, CHANNELS, ENV, ENV), dtype=jnp.float32)
    center_positions = jax.random.randint(k2, (BATCH, 2), 0, ENV, dtype=jnp.int32)
    crop_mask = _get_crop_mask(CROP_SIZE, FOV)
    return {"input_tensor": input_tensor, "center_positions": center_positions, "mask": True, "crop_mask": crop_mask}

def reference(input_tensor, center_positions, mask, crop_mask):
    batch_size, num_channels, height, width = input_tensor.shape
    cs = crop_mask.shape[0]
    crop_center = (cs - 1) // 2
    padded_state = jnp.pad(input_tensor, ((0, 0), (0, 0), (crop_center, crop_center), (crop_center, crop_center)))
    u_pos = center_positions[:, 0].astype(jnp.int32)
    v_pos = center_positions[:, 1].astype(jnp.int32)
    offs = jnp.arange(cs, dtype=jnp.int32) - crop_center
    us = jnp.broadcast_to(u_pos[None, None, :] + offs[:, None, None] + crop_center, (cs, cs, batch_size))
    vs = jnp.broadcast_to(v_pos[None, None, :] + offs[None, :, None] + crop_center, (cs, cs, batch_size))
    batch_indices = jnp.broadcast_to(jnp.arange(batch_size, dtype=jnp.int32)[None, None, :], (cs, cs, batch_size))
    cropped_square = padded_state[batch_indices, :, us, vs]
    cropped_square = jnp.transpose(cropped_square, (2, 3, 0, 1))
    cropped_square = jnp.where(mask, cropped_square * crop_mask, cropped_square)
    return (cropped_square, crop_mask)

if __name__ == "__main__":
    import jax
    _d = setup_inputs()
    print(jax.jit(kernel)(*tuple(_d.values())))

</pallas_src>

<mosaic_0001>
#map = affine_map<(d0, d1) -> (0, 0, 0, 0)>
#map1 = affine_map<(d0, d1) -> (0, 0)>
module attributes {stable_mosaic.version = 14 : i64} {
  func.func @_sc_body(%arg0: i32, %arg1: i32, %arg2: memref<128x32x128x128xf32, #tpu.memory_space<hbm>>, %arg3: memref<128x16xi32, #tpu.memory_space<hbm>>, %arg4: memref<33x48xf32, #tpu.memory_space<hbm>>, %arg5: memref<128x34848xf32, #tpu.memory_space<hbm>>, %arg6: memref<16x33x96xf32, #tpu.memory_space<vmem>>, %arg7: memref<17448xf32, #tpu.memory_space<vmem>>, %arg8: memref<4x16xi32, #tpu.memory_space<vmem>>, %arg9: memref<33x48xf32, #tpu.memory_space<vmem>>) attributes {dimension_semantics = [#tpu.dimension_semantics<core_parallel>, #tpu.dimension_semantics<subcore_parallel>], iteration_bounds = array<i64: 2, 16>, scalar_prefetch = 0 : i64, scratch_operands = 4 : i64, tpu.core_type = #tpu.core_type<sc_vector_subcore>, window_params = [{transform_indices = #map}, {transform_indices = #map1}, {transform_indices = #map1}, {transform_indices = #map1}]} {
    %mul3A = arith.constant 2 : i32
    %mul3A_0 = arith.muli %arg1, %mul3A : i32
    %add3A = arith.addi %mul3A_0, %arg0 : i32
    "tpu.region"() ({
      %run_scoped3A = tpu.sem_alloc : memref<!tpu.dma_semaphore, #tpu.memory_space<semaphore_mem>>
      tpu.enqueue_dma source(%arg4 : memref<33x48xf32, #tpu.memory_space<hbm>>) target(%arg9 : memref<33x48xf32, #tpu.memory_space<vmem>>) target_semaphore(%run_scoped3A : memref<!tpu.dma_semaphore, #tpu.memory_space<semaphore_mem>>)
      tpu.wait_dma2 semaphore(%run_scoped3A : memref<!tpu.dma_semaphore, #tpu.memory_space<semaphore_mem>>) src(%arg4 : memref<33x48xf32, #tpu.memory_space<hbm>>) dst(%arg9 : memref<33x48xf32, #tpu.memory_space<vmem>>)
      tpu.yield
    }) : () -> ()
    %mul3A_1 = arith.constant 4 : i32
    %mul3A_2 = arith.muli %add3A, %mul3A_1 : i32
    "tpu.region"() ({
      %run_scoped3A = tpu.sem_alloc : memref<!tpu.dma_semaphore, #tpu.memory_space<semaphore_mem>>
      %dma_start3A = arith.constant 0 : i32
      %dma_start3A_12 = tpu.memref_slice %arg3[%mul3A_2, %dma_start3A] : memref<128x16xi32, #tpu.memory_space<hbm>> -> memref<4x16xi32, #tpu.memory_space<hbm>>
      %dma_start3A_13 = arith.constant 0 : i32
      %dma_start3A_14 = tpu.memref_slice %arg3[%mul3A_2, %dma_start3A_13] : memref<128x16xi32, #tpu.memory_space<hbm>> -> memref<4x16xi32, #tpu.memory_space<hbm>>
      tpu.enqueue_dma source(%dma_start3A_14 : memref<4x16xi32, #tpu.memory_space<hbm>>) target(%arg8 : memref<4x16xi32, #tpu.memory_space<vmem>>) target_semaphore(%run_scoped3A : memref<!tpu.dma_semaphore, #tpu.memory_space<semaphore_mem>>)
      %dma_wait3A = arith.constant 0 : i32
      %dma_wait3A_15 = tpu.memref_slice %arg3[%mul3A_2, %dma_wait3A] : memref<128x16xi32, #tpu.memory_space<hbm>> -> memref<4x16xi32, #tpu.memory_space<hbm>>
      %dma_wait3A_16 = arith.constant 0 : i32
      %dma_wait3A_17 = tpu.memref_slice %arg3[%mul3A_2, %dma_wait3A_16] : memref<128x16xi32, #tpu.memory_space<hbm>> -> memref<4x16xi32, #tpu.memory_space<hbm>>
      tpu.wait_dma2 semaphore(%run_scoped3A : memref<!tpu.dma_semaphore, #tpu.memory_space<semaphore_mem>>) src(%dma_wait3A_17 : memref<4x16xi32, #tpu.memory_space<hbm>>) dst(%arg8 : memref<4x16xi32, #tpu.memory_space<vmem>>)
      tpu.yield
    }) : () -> ()
    %scan3A = arith.constant 0 : i32
    %scan3A_3 = arith.constant 33 : i32
    %scan3A_4 = arith.addi %scan3A, %scan3A_3 : i32
    %scan3A_5 = arith.constant 1 : i32
    scf.for %scan3A_12 = %scan3A to %scan3A_4 step %scan3A_5  : i32 {
      %broadcast_in_dim3A = arith.constant 0.000000e+00 : f32
      %broadcast_in_dim3A_13 = vector.broadcast %broadcast_in_dim3A : f32 to vector<16xf32>
      %swap3A = arith.constant 0 : i32
      %swap3A_14 = arith.index_cast %swap3A : i32 to index
      %swap3A_15 = arith.index_cast %scan3A_12 : i32 to index
      %swap3A_16 = arith.constant 0 : index
      %swap3A_17 = tpu.vector_load %arg6[%swap3A_14, %swap3A_15, %swap3A_16] {strides = array<i32>} : memref<16x33x96xf32, #tpu.memory_space<vmem>>, vector<1x1x16xf32>,
      %swap3A_18 = vector.shape_cast %swap3A_17 : vector<1x1x16xf32> to vector<16xf32>
      %swap3A_19 = vector.shape_cast %broadcast_in_dim3A_13 : vector<16xf32> to vector<1x1x16xf32>
      tpu.vector_store %arg6[%swap3A_14, %swap3A_15, %swap3A_16], %swap3A_19 {strides = array<i32>} : memref<16x33x96xf32, #tpu.memory_space<vmem>>, vector<1x1x16xf32>,
      %broadcast_in_dim3A_20 = arith.constant 0.000000e+00 : f32
      %broadcast_in_dim3A_21 = vector.broadcast %broadcast_in_dim3A_20 : f32 to vector<16xf32>
      %swap3A_22 = arith.constant 0 : i32
      %swap3A_23 = arith.index_cast %swap3A_22 : i32 to index
      %swap3A_24 = arith.index_cast %scan3A_12 : i32 to index
      %swap3A_25 = arith.constant 64 : index
      %swap3A_26 = tpu.vector_load %arg6[%swap3A_23, %swap3A_24, %swap3A_25] {strides = array<i32>} : memref<16x33x96xf32, #tpu.memory_space<vmem>>, vector<1x1x16xf32>,
      %swap3A_27 = vector.shape_cast %swap3A_26 : vector<1x1x16xf32> to vector<16xf32>
      %swap3A_28 = vector.shape_cast %broadcast_in_dim3A_21 : vector<16xf32> to vector<1x1x16xf32>
      tpu.vector_store %arg6[%swap3A_23, %swap3A_24, %swap3A_25], %swap3A_28 {strides = array<i32>} : memref<16x33x96xf32, #tpu.memory_space<vmem>>, vector<1x1x16xf32>,
      %broadcast_in_dim3A_29 = arith.constant 0.000000e+00 : f32
      %broadcast_in_dim3A_30 = vector.broadcast %broadcast_in_dim3A_29 : f32 to vector<16xf32>
      %swap3A_31 = arith.constant 0 : i32
      %swap3A_32 = arith.index_cast %swap3A_31 : i32 to index
      %swap3A_33 = arith.index_cast %scan3A_12 : i32 to index
      %swap3A_34 = arith.constant 80 : index
      %swap3A_35 = tpu.vector_load %arg6[%swap3A_32, %swap3A_33, %swap3A_34] {strides = array<i32>} : memref<16x33x96xf32, #tpu.memory_space<vmem>>, vector<1x1x16xf32>,
      %swap3A_36 = vector.shape_cast %swap3A_35 : vector<1x1x16xf32> to vector<16xf32>
      %swap3A_37 = vector.shape_cast %broadcast_in_dim3A_30 : vector<16xf32> to vector<1x1x16xf32>
      tpu.vector_store %arg6[%swap3A_32, %swap3A_33, %swap3A_34], %swap3A_37 {strides = array<i32>} : memref<16x33x96xf32, #tpu.memory_space<vmem>>, vector<1x1x16xf32>,
      %broadcast_in_dim3A_38 = arith.constant 0.000000e+00 : f32
      %broadcast_in_dim3A_39 = vector.broadcast %broadcast_in_dim3A_38 : f32 to vector<16xf32>
      %swap3A_40 = arith.constant 1 : i32
      %swap3A_41 = arith.index_cast %swap3A_40 : i32 to index
      %swap3A_42 = arith.index_cast %scan3A_12 : i32 to index
      %swap3A_43 = arith.constant 0 : index
      %swap3A_44 = tpu.vector_load %arg6[%swap3A_41, %swap3A_42, %swap3A_43] {strides = array<i32>} : memref<16x33x96xf32, #tpu.memory_space<vmem>>, vector<1x1x16xf32>,
      %swap3A_45 = vector.shape_cast %swap3A_44 : vector<1x1x16xf32> to vector<16xf32>
      %swap3A_46 = vector.shape_cast %broadcast_in_dim3A_39 : vector<16xf32> to vector<1x1x16xf32>
      tpu.vector_store %arg6[%swap3A_41, %swap3A_42, %swap3A_43], %swap3A_46 {strides = array<i32>} : memref<16x33x96xf32, #tpu.memory_space<vmem>>, vector<1x1x16xf32>,
      %broadcast_in_dim3A_47 = arith.constant 0.000000e+00 : f32
      %broadcast_in_dim3A_48 = vector.broadcast %broadcast_in_dim3A_47 : f32 to vector<16xf32>
      %swap3A_49 = arith.constant 1 : i32
      %swap3A_50 = arith.index_cast %swap3A_49 : i32 to index
      %swap3A_51 = arith.index_cast %scan3A_12 : i32 to index
      %swap3A_52 = arith.constant 64 : index
      %swap3A_53 = tpu.vector_load %arg6[%swap3A_50, %swap3A_51, %swap3A_52] {strides = array<i32>} : memref<16x33x96xf32, #tpu.memory_space<vmem>>, vector<1x1x16xf32>,
      %swap3A_54 = vector.shape_cast %swap3A_53 : vector<1x1x16xf32> to vector<16xf32>
      %swap3A_55 = vector.shape_cast %broadcast_in_dim3A_48 : vector<16xf32> to vector<1x1x16xf32>
      tpu.vector_store %arg6[%swap3A_50, %swap3A_51, %swap3A_52], %swap3A_55 {strides = array<i32>} : memref<16x33x96xf32, #tpu.memory_space<vmem>>, vector<1x1x16xf32>,
      %broadcast_in_dim3A_56 = arith.constant 0.000000e+00 : f32
      %broadcast_in_dim3A_57 = vector.broadcast %broadcast_in_dim3A_56 : f32 to vector<16xf32>
      %swap3A_58 = arith.constant 1 : i32
      %swap3A_59 = arith.index_cast %swap3A_58 : i32 to index
      %swap3A_60 = arith.index_cast %scan3A_12 : i32 to index
      %swap3A_61 = arith.constant 80 : index
      %swap3A_62 = tpu.vector_load %arg6[%swap3A_59, %swap3A_60, %swap3A_61] {strides = array<i32>} : memref<16x33x96xf32, #tpu.memory_space<vmem>>, vector<1x1x16xf32>,
      %swap3A_63 = vector.shape_cast %swap3A_62 : vector<1x1x16xf32> to vector<16xf32>
      %swap3A_64 = vector.shape_cast %broadcast_in_dim3A_57 : vector<16xf32> to vector<1x1x16xf32>
      tpu.vector_store %arg6[%swap3A_59, %swap3A_60, %swap3A_61], %swap3A_64 {strides = array<i32>} : memref<16x33x96xf32, #tpu.memory_space<vmem>>, vector<1x1x16xf32>,
      %broadcast_in_dim3A_65 = arith.constant 0.000000e+00 : f32
      %broadcast_in_dim3A_66 = vector.broadcast %broadcast_in_dim3A_65 : f32 to vector<16xf32>
      %swap3A_67 = arith.constant 2 : i32
      %swap3A_68 = arith.index_cast %swap3A_67 : i32 to index
      %swap3A_69 = arith.index_cast %scan3A_12 : i32 to index
      %swap3A_70 = arith.constant 0 : index
      %swap3A_71 = tpu.vector_load %arg6[%swap3A_68, %swap3A_69, %swap3A_70] {strides = array<i32>} : memref<16x33x96xf32, #tpu.memory_space<vmem>>, vector<1x1x16xf32>,
      %swap3A_72 = vector.shape_cast %swap3A_71 : vector<1x1x16xf32> to vector<16xf32>
      %swap3A_73 = vector.shape_cast %broadcast_in_dim3A_66 : vector<16xf32> to vector<1x1x16xf32>
      tpu.vector_store %arg6[%swap3A_68, %swap3A_69, %swap3A_70], %swap3A_73 {strides = array<i32>} : memref<16x33x96xf32, #tpu.memory_space<vmem>>, vector<1x1x16xf32>,
      %broadcast_in_dim3A_74 = arith.constant 0.000000e+00 : f32
      %broadcast_in_dim3A_75 = vector.broadcast %broadcast_in_dim3A_74 : f32 to vector<16xf32>
      %swap3A_76 = arith.constant 2 : i32
      %swap3A_77 = arith.index_cast %swap3A_76 : i32 to index
      %swap3A_78 = arith.index_cast %scan3A_12 : i32 to index
      %swap3A_79 = arith.constant 64 : index
      %swap3A_80 = tpu.vector_load %arg6[%swap3A_77, %swap3A_78, %swap3A_79] {strides = array<i32>} : memref<16x33x96xf32, #tpu.memory_space<vmem>>, vector<1x1x16xf32>,
      %swap3A_81 = vector.shape_cast %swap3A_80 : vector<1x1x16xf32> to vector<16xf32>
      %swap3A_82 = vector.shape_cast %broadcast_in_dim3A_75 : vector<16xf32> to vector<1x1x16xf32>
      tpu.vector_store %arg6[%swap3A_77, %swap3A_78, %swap3A_79], %swap3A_82 {strides = array<i32>} : memref<16x33x96xf32, #tpu.memory_space<vmem>>, vector<1x1x16xf32>,
      %broadcast_in_dim3A_83 = arith.constant 0.000000e+00 : f32
      %broadcast_in_dim3A_84 = vector.broadcast %broadcast_in_dim3A_83 : f32 to vector<16xf32>
      %swap3A_85 = arith.constant 2 : i32
      %swap3A_86 = arith.index_cast %swap3A_85 : i32 to index
      %swap3A_87 = arith.index_cast %scan3A_12 : i32 to index
      %swap3A_88 = arith.constant 80 : index
      %swap3A_89 = tpu.vector_load %arg6[%swap3A_86, %swap3A_87, %swap3A_88] {strides = array<i32>} : memref<16x33x96xf32, #tpu.memory_space<vmem>>, vector<1x1x16xf32>,
      %swap3A_90 = vector.shape_cast %swap3A_89 : vector<1x1x16xf32> to vector<16xf32>
      %swap3A_91 = vector.shape_cast %broadcast_in_dim3A_84 : vector<16xf32> to vector<1x1x16xf32>
      tpu.vector_store %arg6[%swap3A_86, %swap3A_87, %swap3A_88], %swap3A_91 {strides = array<i32>} : memref<16x33x96xf32, #tpu.memory_space<vmem>>, vector<1x1x16xf32>,
      %broadcast_in_dim3A_92 = arith.constant 0.000000e+00 : f32
      %broadcast_in_dim3A_93 = vector.broadcast %broadcast_in_dim3A_92 : f32 to vector<16xf32>
      %swap3A_94 = arith.constant 3 : i32
      %swap3A_95 = arith.index_cast %swap3A_94 : i32 to index
      %swap3A_96 = arith.index_cast %scan3A_12 : i32 to index
      %swap3A_97 = arith.constant 0 : index
      %swap3A_98 = tpu.vector_load %arg6[%swap3A_95, %swap3A_96, %swap3A_97] {strides = array<i32>} : memref<16x33x96xf32, #tpu.memory_space<vmem>>, vector<1x1x16xf32>,
      %swap3A_99 = vector.shape_cast %swap3A_98 : vector<1x1x16xf32> to vector<16xf32>
      %swap3A_100 = vector.shape_cast %broadcast_in_dim3A_93 : vector<16xf32> to vector<1x1x16xf32>
      tpu.vector_store %arg6[%swap3A_95, %swap3A_96, %swap3A_97], %swap3A_100 {strides = array<i32>} : memref<16x33x96xf32, #tpu.memory_space<vmem>>, vector<1x1x16xf32>,
      %broadcast_in_dim3A_101 = arith.constant 0.000000e+00 : f32
      %broadcast_in_dim3A_102 = vector.broadcast %broadcast_in_dim3A_101 : f32 to vector<16xf32>
      %swap3A_103 = arith.constant 3 : i32
      %swap3A_104 = arith.index_cast %swap3A_103 : i32 to index
      %swap3A_105 = arith.index_cast %scan3A_12 : i32 to index
      %swap3A_106 = arith.constant 64 : index
      %swap3A_107 = tpu.vector_load %arg6[%swap3A_104, %swap3A_105, %swap3A_106] {strides = array<i32>} : memref<16x33x96xf32, #tpu.memory_space<vmem>>, vector<1x1x16xf32>,
      %swap3A_108 = vector.shape_cast %swap3A_107 : vector<1x1x16xf32> to vector<16xf32>
      %swap3A_109 = vector.shape_cast %broadcast_in_dim3A_102 : vector<16xf32> to vector<1x1x16xf32>
      tpu.vector_store %arg6[%swap3A_104, %swap3A_105, %swap3A_106], %swap3A_109 {strides = array<i32>} : memref<16x33x96xf32, #tpu.memory_space<vmem>>, vector<1x1x16xf32>,
      %broadcast_in_dim3A_110 = arith.constant 0.000000e+00 : f32
      %broadcast_in_dim3A_111 = vector.broadcast %broadcast_in_dim3A_110 : f32 to vector<16xf32>
      %swap3A_112 = arith.constant 3 : i32
      %swap3A_113 = arith.index_cast %swap3A_112 : i32 to index
      %swap3A_114 = arith.index_cast %scan3A_12 : i32 to index
      %swap3A_115 = arith.constant 80 : index
      %swap3A_116 = tpu.vector_load %arg6[%swap3A_113, %swap3A_114, %swap3A_115] {strides = array<i32>} : memref<16x33x96xf32, #tpu.memory_space<vmem>>, vector<1x1x16xf32>,
      %swap3A_117 = vector.shape_cast %swap3A_116 : vector<1x1x16xf32> to vector<16xf32>
      %swap3A_118 = vector.shape_cast %broadcast_in_dim3A_111 : vector<16xf32> to vector<1x1x16xf32>
      tpu.vector_store %arg6[%swap3A_113, %swap3A_114, %swap3A_115], %swap3A_118 {strides = array<i32>} : memref<16x33x96xf32, #tpu.memory_space<vmem>>, vector<1x1x16xf32>,
      %broadcast_in_dim3A_119 = arith.constant 0.000000e+00 : f32
      %broadcast_in_dim3A_120 = vector.broadcast %broadcast_in_dim3A_119 : f32 to vector<16xf32>
      %swap3A_121 = arith.constant 4 : i32
      %swap3A_122 = arith.index_cast %swap3A_121 : i32 to index
      %swap3A_123 = arith.index_cast %scan3A_12 : i32 to index
      %swap3A_124 = arith.constant 0 : index
      %swap3A_125 = tpu.vector_load %arg6[%swap3A_122, %swap3A_123, %swap3A_124] {strides = array<i32>} : memref<16x33x96xf32, #tpu.memory_space<vmem>>, vector<1x1x16xf32>,
      %swap3A_126 = vector.shape_cast %swap3A_125 : vector<1x1x16xf32> to vector<16xf32>
      %swap3A_127 = vector.shape_cast %broadcast_in_dim3A_120 : vector<16xf32> to vector<1x1x16xf32>
      tpu.vector_store %arg6[%swap3A_122, %swap3A_123, %swap3A_124], %swap3A_127 {strides = array<i32>} : memref<16x33x96xf32, #tpu.memory_space<vmem>>, vector<1x1x16xf32>,
      %broadcast_in_dim3A_128 = arith.constant 0.000000e+00 : f32
      %broadcast_in_dim3A_129 = vector.broadcast %broadcast_in_dim3A_128 : f32 to vector<16xf32>
      %swap3A_130 = arith.constant 4 : i32
      %swap3A_131 = arith.index_cast %swap3A_130 : i32 to index
      %swap3A_132 = arith.index_cast %scan3A_12 : i32 to index
      %swap3A_133 = arith.constant 64 : index
      %swap3A_134 = tpu.vector_load %arg6[%swap3A_131, %swap3A_132, %swap3A_133] {strides = array<i32>} : memref<16x33x96xf32, #tpu.memory_space<vmem>>, vector<1x1x16xf32>,
      %swap3A_135 = vector.shape_cast %swap3A_134 : vector<1x1x16xf32> to vector<16xf32>
      %swap3A_136 = vector.shape_cast %broadcast_in_dim3A_129 : vector<16xf32> to vector<1x1x16xf32>
      tpu.vector_store %arg6[%swap3A_131, %swap3A_132, %swap3A_133], %swap3A_136 {strides = array<i32>} : memref<16x33x96xf32, #tpu.memory_space<vmem>>, vector<1x1x16xf32>,
      %broadcast_in_dim3A_137 = arith.constant 0.000000e+00 : f32
      %broadcast_in_dim3A_138 = vector.broadcast %broadcast_in_dim3A_137 : f32 to vector<16xf32>
      %swap3A_139 = arith.constant 4 : i32
      %swap3A_140 = arith.index_cast %swap3A_139 : i32 to index
      %swap3A_141 = arith.index_cast %scan3A_12 : i32 to index
      %swap3A_142 = arith.constant 80 : index
      %swap3A_143 = tpu.vector_load %arg6[%swap3A_140, %swap3A_141, %swap3A_142] {strides = array<i32>} : memref<16x33x96xf32, #tpu.memory_space<vmem>>, vector<1x1x16xf32>,
      %swap3A_144 = vector.shape_cast %swap3A_143 : vector<1x1x16xf32> to vector<16xf32>
      %swap3A_145 = vector.shape_cast %broadcast_in_dim3A_138 : vector<16xf32> to vector<1x1x16xf32>
      tpu.vector_store %arg6[%swap3A_140, %swap3A_141, %swap3A_142], %swap3A_145 {strides = array<i32>} : memref<16x33x96xf32, #tpu.memory_space<vmem>>, vector<1x1x16xf32>,
      %broadcast_in_dim3A_146 = arith.constant 0.000000e+00 : f32
      %broadcast_in_dim3A_147 = vector.broadcast %broadcast_in_dim3A_146 : f32 to vector<16xf32>
      %swap3A_148 = arith.constant 5 : i32
      %swap3A_149 = arith.index_cast %swap3A_148 : i32 to index
      %swap3A_150 = arith.index_cast %scan3A_12 : i32 to index
      %swap3A_151 = arith.constant 0 : index
      %swap3A_152 = tpu.vector_load %arg6[%swap3A_149, %swap3A_150, %swap3A_151] {strides = array<i32>} : memref<16x33x96xf32, #tpu.memory_space<vmem>>, vector<1x1x16xf32>,
      %swap3A_153 = vector.shape_cast %swap3A_152 : vector<1x1x16xf32> to vector<16xf32>
      %swap3A_154 = vector.shape_cast %broadcast_in_dim3A_147 : vector<16xf32> to vector<1x1x16xf32>
      tpu.vector_store %arg6[%swap3A_149, %swap3A_150, %swap3A_151], %swap3A_154 {strides = array<i32>} : memref<16x33x96xf32, #tpu.memory_space<vmem>>, vector<1x1x16xf32>,
      %broadcast_in_dim3A_155 = arith.constant 0.000000e+00 : f32
      %broadcast_in_dim3A_156 = vector.broadcast %broadcast_in_dim3A_155 : f32 to vector<16xf32>
      %swap3A_157 = arith.constant 5 : i32
      %swap3A_158 = arith.index_cast %swap3A_157 : i32 to index
      %swap3A_159 = arith.index_cast %scan3A_12 : i32 to index
      %swap3A_160 = arith.constant 64 : index
      %swap3A_161 = tpu.vector_load %arg6[%swap3A_158, %swap3A_159, %swap3A_160] {strides = array<i32>} : memref<16x33x96xf32, #tpu.memory_space<vmem>>, vector<1x1x16xf32>,
      %swap3A_162 = vector.shape_cast %swap3A_161 : vector<1x1x16xf32> to vector<16xf32>
      %swap3A_163 = vector.shape_cast %broadcast_in_dim3A_156 : vector<16xf32> to vector<1x1x16xf32>
      tpu.vector_store %arg6[%swap3A_158, %swap3A_159, %swap3A_160], %swap3A_163 {strides = array<i32>} : memref<16x33x96xf32, #tpu.memory_space<vmem>>, vector<1x1x16xf32>,
      %broadcast_in_dim3A_164 = arith.constant 0.000000e+00 : f32
      %broadcast_in_dim3A_165 = vector.broadcast %broadcast_in_dim3A_164 : f32 to vector<16xf32>
      %swap3A_166 = arith.constant 5 : i32
      %swap3A_167 = arith.index_cast %swap3A_166 : i32 to index
      %swap3A_168 = arith.index_cast %scan3A_12 : i32 to index
      %swap3A_169 = arith.constant 80 : index
      %swap3A_170 = tpu.vector_load %arg6[%swap3A_167, %swap3A_168, %swap3A_169] {strides = array<i32>} : memref<16x33x96xf32, #tpu.memory_space<vmem>>, vector<1x1x16xf32>,
      %swap3A_171 = vector.shape_cast %swap3A_170 : vector<1x1x16xf32> to vector<16xf32>
      %swap3A_172 = vector.shape_cast %broadcast_in_dim3A_165 : vector<16xf32> to vector<1x1x16xf32>
      tpu.vector_store %arg6[%swap3A_167, %swap3A_168, %swap3A_169], %swap3A_172 {strides = array<i32>} : memref<16x33x96xf32, #tpu.memory_space<vmem>>, vector<1x1x16xf32>,
      %broadcast_in_dim3A_173 = arith.constant 0.000000e+00 : f32
      %broadcast_in_dim3A_174 = vector.broadcast %broadcast_in_dim3A_173 : f32 to vector<16xf32>
      %swap3A_175 = arith.constant 6 : i32
      %swap3A_176 = arith.index_cast %swap3A_175 : i32 to index
      %swap3A_177 = arith.index_cast %scan3A_12 : i32 to index
      %swap3A_178 = arith.constant 0 : index
      %swap3A_179 = tpu.vector_load %arg6[%swap3A_176, %swap3A_177, %swap3A_178] {strides = array<i32>} : memref<16x33x96xf32, #tpu.memory_space<vmem>>, vector<1x1x16xf32>,
      %swap3A_180 = vector.shape_cast %swap3A_179 : vector<1x1x16xf32> to vector<16xf32>
      %swap3A_181 = vector.shape_cast %broadcast_in_dim3A_174 : vector<16xf32> to vector<1x1x16xf32>
      tpu.vector_store %arg6[%swap3A_176, %swap3A_177, %swap3A_178], %swap3A_181 {strides = array<i32>} : memref<16x33x96xf32, #tpu.memory_space<vmem>>, vector<1x1x16xf32>,
      %broadcast_in_dim3A_182 = arith.constant 0.000000e+00 : f32
      %broadcast_in_dim3A_183 = vector.broadcast %broadcast_in_dim3A_182 : f32 to vector<16xf32>
      %swap3A_184 = arith.constant 6 : i32
      %swap3A_185 = arith.index_cast %swap3A_184 : i32 to index
      %swap3A_186 = arith.index_cast %scan3A_12 : i32 to index
      %swap3A_187 = arith.constant 64 : index
      %swap3A_188 = tpu.vector_load %arg6[%swap3A_185, %swap3A_186, %swap3A_187] {strides = array<i32>} : memref<16x33x96xf32, #tpu.memory_space<vmem>>, vector<1x1x16xf32>,
      %swap3A_189 = vector.shape_cast %swap3A_188 : vector<1x1x16xf32> to vector<16xf32>
      %swap3A_190 = vector.shape_cast %broadcast_in_dim3A_183 : vector<16xf32> to vector<1x1x16xf32>
      tpu.vector_store %arg6[%swap3A_185, %swap3A_186, %swap3A_187], %swap3A_190 {strides = array<i32>} : memref<16x33x96xf32, #tpu.memory_space<vmem>>, vector<1x1x16xf32>,
      %broadcast_in_dim3A_191 = arith.constant 0.000000e+00 : f32
      %broadcast_in_dim3A_192 = vector.broadcast %broadcast_in_dim3A_191 : f32 to vector<16xf32>
      %swap3A_193 = arith.constant 6 : i32
      %swap3A_194 = arith.index_cast %swap3A_193 : i32 to index
      %swap3A_195 = arith.index_cast %scan3A_12 : i32 to index
      %swap3A_196 = arith.constant 80 : index
      %swap3A_197 = tpu.vector_load %arg6[%swap3A_194, %swap3A_195, %swap3A_196] {strides = array<i32>} : memref<16x33x96xf32, #tpu.memory_space<vmem>>, vector<1x1x16xf32>,
      %swap3A_198 = vector.shape_cast %swap3A_197 : vector<1x1x16xf32> to vector<16xf32>
      %swap3A_199 = vector.shape_cast %broadcast_in_dim3A_192 : vector<16xf32> to vector<1x1x16xf32>
      tpu.vector_store %arg6[%swap3A_194, %swap3A_195, %swap3A_196], %swap3A_199 {strides = array<i32>} : memref<16x33x96xf32, #tpu.memory_space<vmem>>, vector<1x1x16xf32>,
      %broadcast_in_dim3A_200 = arith.constant 0.000000e+00 : f32
      %broadcast_in_dim3A_201 = vector.broadcast %broadcast_in_dim3A_200 : f32 to vector<16xf32>
      %swap3A_202 = arith.constant 7 : i32
      %swap3A_203 = arith.index_cast %swap3A_202 : i32 to index
      %swap3A_204 = arith.index_cast %scan3A_12 : i32 to index
      %swap3A_205 = arith.constant 0 : index
      %swap3A_206 = tpu.vector_load %arg6[%swap3A_203, %swap3A_204, %swap3A_205] {strides = array<i32>} : memref<16x33x96xf32, #tpu.memory_space<vmem>>, vector<1x1x16xf32>,
      %swap3A_207 = vector.shape_cast %swap3A_206 : vector<1x1x16xf32> to vector<16xf32>
      %swap3A_208 = vector.shape_cast %broadcast_in_dim3A_201 : vector<16xf32> to vector<1x1x16xf32>
      tpu.vector_store %arg6[%swap3A_203, %swap3A_204, %swap3A_205], %swap3A_208 {strides = array<i32>} : memref<16x33x96xf32, #tpu.memory_space<vmem>>, vector<1x1x16xf32>,
      %broadcast_in_dim3A_209 = arith.constant 0.000000e+00 : f32
      %broadcast_in_dim3A_210 = vector.broadcast %broadcast_in_dim3A_209 : f32 to vector<16xf32>
      %swap3A_211 = arith.constant 7 : i32
      %swap3A_212 = arith.index_cast %swap3A_211 : i32 to index
      %swap3A_213 = arith.index_cast %scan3A_12 : i32 to index
      %swap3A_214 = arith.constant 64 : index
      %swap3A_215 = tpu.vector_load %arg6[%swap3A_212, %swap3A_213, %swap3A_214] {strides = array<i32>} : memref<16x33x96xf32, #tpu.memory_space<vmem>>, vector<1x1x16xf32>,
      %swap3A_216 = vector.shape_cast %swap3A_215 : vector<1x1x16xf32> to vector<16xf32>
      %swap3A_217 = vector.shape_cast %broadcast_in_dim3A_210 : vector<16xf32> to vector<1x1x16xf32>
      tpu.vector_store %arg6[%swap3A_212, %swap3A_213, %swap3A_214], %swap3A_217 {strides = array<i32>} : memref<16x33x96xf32, #tpu.memory_space<vmem>>, vector<1x1x16xf32>,
      %broadcast_in_dim3A_218 = arith.constant 0.000000e+00 : f32
      %broadcast_in_dim3A_219 = vector.broadcast %broadcast_in_dim3A_218 : f32 to vector<16xf32>
      %swap3A_220 = arith.constant 7 : i32
      %swap3A_221 = arith.index_cast %swap3A_220 : i32 to index
      %swap3A_222 = arith.index_cast %scan3A_12 : i32 to index
      %swap3A_223 = arith.constant 80 : index
      %swap3A_224 = tpu.vector_load %arg6[%swap3A_221, %swap3A_222, %swap3A_223] {strides = array<i32>} : memref<16x33x96xf32, #tpu.memory_space<vmem>>, vector<1x1x16xf32>,
      %swap3A_225 = vector.shape_cast %swap3A_224 : vector<1x1x16xf32> to vector<16xf32>
      %swap3A_226 = vector.shape_cast %broadcast_in_dim3A_219 : vector<16xf32> to vector<1x1x16xf32>
      tpu.vector_store %arg6[%swap3A_221, %swap3A_222, %swap3A_223], %swap3A_226 {strides = array<i32>} : memref<16x33x96xf32, #tpu.memory_space<vmem>>, vector<1x1x16xf32>,
      %broadcast_in_dim3A_227 = arith.constant 0.000000e+00 : f32
      %broadcast_in_dim3A_228 = vector.broadcast %broadcast_in_dim3A_227 : f32 to vector<16xf32>
      %swap3A_229 = arith.constant 8 : i32
      %swap3A_230 = arith.index_cast %swap3A_229 : i32 to index
      %swap3A_231 = arith.index_cast %scan3A_12 : i32 to index
      %swap3A_232 = arith.constant 0 : index
      %swap3A_233 = tpu.vector_load %arg6[%swap3A_230, %swap3A_231, %swap3A_232] {strides = array<i32>} : memref<16x33x96xf32, #tpu.memory_space<vmem>>, vector<1x1x16xf32>,
      %swap3A_234 = vector.shape_cast %swap3A_233 : vector<1x1x16xf32> to vector<16xf32>
      %swap3A_235 = vector.shape_cast %broadcast_in_dim3A_228 : vector<16xf32> to vector<1x1x16xf32>
      tpu.vector_store %arg6[%swap3A_230, %swap3A_231, %swap3A_232], %swap3A_235 {strides = array<i32>} : memref<16x33x96xf32, #tpu.memory_space<vmem>>, vector<1x1x16xf32>,
      %broadcast_in_dim3A_236 = arith.constant 0.000000e+00 : f32
      %broadcast_in_dim3A_237 = vector.broadcast %broadcast_in_dim3A_236 : f32 to vector<16xf32>
      %swap3A_238 = arith.constant 8 : i32
      %swap3A_239 = arith.index_cast %swap3A_238 : i32 to index
      %swap3A_240 = arith.index_cast %scan3A_12 : i32 to index
      %swap3A_241 = arith.constant 64 : index
      %swap3A_242 = tpu.vector_load %arg6[%swap3A_239, %swap3A_240, %swap3A_241] {strides = array<i32>} : memref<16x33x96xf32, #tpu.memory_space<vmem>>, vector<1x1x16xf32>,
      %swap3A_243 = vector.shape_cast %swap3A_242 : vector<1x1x16xf32> to vector<16xf32>
      %swap3A_244 = vector.shape_cast %broadcast_in_dim3A_237 : vector<16xf32> to vector<1x1x16xf32>
      tpu.vector_store %arg6[%swap3A_239, %swap3A_240, %swap3A_241], %swap3A_244 {strides = array<i32>} : memref<16x33x96xf32, #tpu.memory_space<vmem>>, vector<1x1x16xf32>,
      %broadcast_in_dim3A_245 = arith.constant 0.000000e+00 : f32
      %broadcast_in_dim3A_246 = vector.broadcast %broadcast_in_dim3A_245 : f32 to vector<16xf32>
      %swap3A_247 = arith.constant 8 : i32
      %swap3A_248 = arith.index_cast %swap3A_247 : i32 to index
      %swap3A_249 = arith.index_cast %scan3A_12 : i32 to index
      %swap3A_250 = arith.constant 80 : index
      %swap3A_251 = tpu.vector_load %arg6[%swap3A_248, %swap3A_249, %swap3A_250] {strides = array<i32>} : memref<16x33x96xf32, #tpu.memory_space<vmem>>, vector<1x1x16xf32>,
      %swap3A_252 = vector.shape_cast %swap3A_251 : vector<1x1x16xf32> to vector<16xf32>
      %swap3A_253 = vector.shape_cast %broadcast_in_dim3A_246 : vector<16xf32> to vector<1x1x16xf32>
      tpu.vector_store %arg6[%swap3A_248, %swap3A_249, %swap3A_250], %swap3A_253 {strides = array<i32>} : memref<16x33x96xf32, #tpu.memory_space<vmem>>, vector<1x1x16xf32>,
      %broadcast_in_dim3A_254 = arith.constant 0.000000e+00 : f32
      %broadcast_in_dim3A_255 = vector.broadcast %broadcast_in_dim3A_254 : f32 to vector<16xf32>
      %swap3A_256 = arith.constant 9 : i32
      %swap3A_257 = arith.index_cast %swap3A_256 : i32 to index
      %swap3A_258 = arith.index_cast %scan3A_12 : i32 to index
      %swap3A_259 = arith.constant 0 : index
      %swap3A_260 = tpu.vector_load %arg6[%swap3A_257, %swap3A_258, %swap3A_259] {strides = array<i32>} : memref<16x33x96xf32, #tpu.memory_space<vmem>>, vector<1x1x16xf32>,
      %swap3A_261 = vector.shape_cast %swap3A_260 : vector<1x1x16xf32> to vector<16xf32>
      %swap3A_262 = vector.shape_cast %broadcast_in_dim3A_255 : vector<16xf32> to vector<1x1x16xf32>
      tpu.vector_store %arg6[%swap3A_257, %swap3A_258, %swap3A_259], %swap3A_262 {strides = array<i32>} : memref<16x33x96xf32, #tpu.memory_space<vmem>>, vector<1x1x16xf32>,
      %broadcast_in_dim3A_263 = arith.constant 0.000000e+00 : f32
      %broadcast_in_dim3A_264 = vector.broadcast %broadcast_in_dim3A_263 : f32 to vector<16xf32>
      %swap3A_265 = arith.constant 9 : i32
      %swap3A_266 = arith.index_cast %swap3A_265 : i32 to index
      %swap3A_267 = arith.index_cast %scan3A_12 : i32 to index
      %swap3A_268 = arith.constant 64 : index
      %swap3A_269 = tpu.vector_load %arg6[%swap3A_266, %swap3A_267, %swap3A_268] {strides = array<i32>} : memref<16x33x96xf32, #tpu.memory_space<vmem>>, vector<1x1x16xf32>,
      %swap3A_270 = vector.shape_cast %swap3A_269 : vector<1x1x16xf32> to vector<16xf32>
      %swap3A_271 = vector.shape_cast %broadcast_in_dim3A_264 : vector<16xf32> to vector<1x1x16xf32>
      tpu.vector_store %arg6[%swap3A_266, %swap3A_267, %swap3A_268], %swap3A_271 {strides = array<i32>} : memref<16x33x96xf32, #tpu.memory_space<vmem>>, vector<1x1x16xf32>,
      %broadcast_in_dim3A_272 = arith.constant 0.000000e+00 : f32
      %broadcast_in_dim3A_273 = vector.broadcast %broadcast_in_dim3A_272 : f32 to vector<16xf32>
      %swap3A_274 = arith.constant 9 : i32
      %swap3A_275 = arith.index_cast %swap3A_274 : i32 to index
      %swap3A_276 = arith.index_cast %scan3A_12 : i32 to index
      %swap3A_277 = arith.constant 80 : index
      %swap3A_278 = tpu.vector_load %arg6[%swap3A_275, %swap3A_276, %swap3A_277] {strides = array<i32>} : memref<16x33x96xf32, #tpu.memory_space<vmem>>, vector<1x1x16xf32>,
      %swap3A_279 = vector.shape_cast %swap3A_278 : vector<1x1x16xf32> to vector<16xf32>
      %swap3A_280 = vector.shape_cast %broadcast_in_dim3A_273 : vector<16xf32> to vector<1x1x16xf32>
      tpu.vector_store %arg6[%swap3A_275, %swap3A_276, %swap3A_277], %swap3A_280 {strides = array<i32>} : memref<16x33x96xf32, #tpu.memory_space<vmem>>, vector<1x1x16xf32>,
      %broadcast_in_dim3A_281 = arith.constant 0.000000e+00 : f32
      %broadcast_in_dim3A_282 = vector.broadcast %broadcast_in_dim3A_281 : f32 to vector<16xf32>
      %swap3A_283 = arith.constant 10 : i32
      %swap3A_284 = arith.index_cast %swap3A_283 : i32 to index
      %swap3A_285 = arith.index_cast %scan3A_12 : i32 to index
      %swap3A_286 = arith.constant 0 : index
      %swap3A_287 = tpu.vector_load %arg6[%swap3A_284, %swap3A_285, %swap3A_286] {strides = array<i32>} : memref<16x33x96xf32, #tpu.memory_space<vmem>>, vector<1x1x16xf32>,
      %swap3A_288 = vector.shape_cast %swap3A_287 : vector<1x1x16xf32> to vector<16xf32>
      %swap3A_289 = vector.shape_cast %broadcast_in_dim3A_282 : vector<16xf32> to vector<1x1x16xf32>
      tpu.vector_store %arg6[%swap3A_284, %swap3A_285, %swap3A_286], %swap3A_289 {strides = array<i32>} : memref<16x33x96xf32, #tpu.memory_space<vmem>>, vector<1x1x16xf32>,
      %broadcast_in_dim3A_290 = arith.constant 0.000000e+00 : f32
      %broadcast_in_dim3A_291 = vector.broadcast %broadcast_in_dim3A_290 : f32 to vector<16xf32>
      %swap3A_292 = arith.constant 10 : i32
      %swap3A_293 = arith.index_cast %swap3A_292 : i32 to index
      %swap3A_294 = arith.index_cast %scan3A_12 : i32 to index
      %swap3A_295 = arith.constant 64 : index
      %swap3A_296 = tpu.vector_load %arg6[%swap3A_293, %swap3A_294, %swap3A_295] {strides = array<i32>} : memref<16x33x96xf32, #tpu.memory_space<vmem>>, vector<1x1x16xf32>,
      %swap3A_297 = vector.shape_cast %swap3A_296 : vector<1x1x16xf32> to vector<16xf32>
      %swap3A_298 = vector.shape_cast %broadcast_in_dim3A_291 : vector<16xf32> to vector<1x1x16xf32>
      tpu.vector_store %arg6[%swap3A_293, %swap3A_294, %swap3A_295], %swap3A_298 {strides = array<i32>} : memref<16x33x96xf32, #tpu.memory_space<vmem>>, vector<1x1x16xf32>,
      %broadcast_in_dim3A_299 = arith.constant 0.000000e+00 : f32
      %broadcast_in_dim3A_300 = vector.broadcast %broadcast_in_dim3A_299 : f32 to vector<16xf32>
      %swap3A_301 = arith.constant 10 : i32
      %swap3A_302 = arith.index_cast %swap3A_301 : i32 to index
      %swap3A_303 = arith.index_cast %scan3A_12 : i32 to index
      %swap3A_304 = arith.constant 80 : index
      %swap3A_305 = tpu.vector_load %arg6[%swap3A_302, %swap3A_303, %swap3A_304] {strides = array<i32>} : memref<16x33x96xf32, #tpu.memory_space<vmem>>, vector<1x1x16xf32>,
      %swap3A_306 = vector.shape_cast %swap3A_305 : vector<1x1x16xf32> to vector<16xf32>
      %swap3A_307 = vector.shape_cast %broadcast_in_dim3A_300 : vector<16xf32> to vector<1x1x16xf32>
      tpu.vector_store %arg6[%swap3A_302, %swap3A_303, %swap3A_304], %swap3A_307 {strides = array<i32>} : memref<16x33x96xf32, #tpu.memory_space<vmem>>, vector<1x1x16xf32>,
      %broadcast_in_dim3A_308 = arith.constant 0.000000e+00 : f32
      %broadcast_in_dim3A_309 = vector.broadcast %broadcast_in_dim3A_308 : f32 to vector<16xf32>
      %swap3A_310 = arith.constant 11 : i32
      %swap3A_311 = arith.index_cast %swap3A_310 : i32 to index
      %swap3A_312 = arith.index_cast %scan3A_12 : i32 to index
      %swap3A_313 = arith.constant 0 : index
      %swap3A_314 = tpu.vector_load %arg6[%swap3A_311, %swap3A_312, %swap3A_313] {strides = array<i32>} : memref<16x33x96xf32, #tpu.memory_space<vmem>>, vector<1x1x16xf32>,
      %swap3A_315 = vector.shape_cast %swap3A_314 : vector<1x1x16xf32> to vector<16xf32>
      %swap3A_316 = vector.shape_cast %broadcast_in_dim3A_309 : vector<16xf32> to vector<1x1x16xf32>
      tpu.vector_store %arg6[%swap3A_311, %swap3A_312, %swap3A_313], %swap3A_316 {strides = array<i32>} : memref<16x33x96xf32, #tpu.memory_space<vmem>>, vector<1x1x16xf32>,
      %broadcast_in_dim3A_317 = arith.constant 0.000000e+00 : f32
      %broadcast_in_dim3A_318 = vector.broadcast %broadcast_in_dim3A_317 : f32 to vector<16xf32>
      %swap3A_319 = arith.constant 11 : i32
      %swap3A_320 = arith.index_cast %swap3A_319 : i32 to index
      %swap3A_321 = arith.index_cast %scan3A_12 : i32 to index
      %swap3A_322 = arith.constant 64 : index
      %swap3A_323 = tpu.vector_load %arg6[%swap3A_320, %swap3A_321, %swap3A_322] {strides = array<i32>} : memref<16x33x96xf32, #tpu.memory_space<vmem>>, vector<1x1x16xf32>,
      %swap3A_324 = vector.shape_cast %swap3A_323 : vector<1x1x16xf32> to vector<16xf32>
      %swap3A_325 = vector.shape_cast %broadcast_in_dim3A_318 : vector<16xf32> to vector<1x1x16xf32>
      tpu.vector_store %arg6[%swap3A_320, %swap3A_321, %swap3A_322], %swap3A_325 {strides = array<i32>} : memref<16x33x96xf32, #tpu.memory_space<vmem>>, vector<1x1x16xf32>,
      %broadcast_in_dim3A_326 = arith.constant 0.000000e+00 : f32
      %broadcast_in_dim3A_327 = vector.broadcast %broadcast_in_dim3A_326 : f32 to vector<16xf32>
      %swap3A_328 = arith.constant 11 : i32
      %swap3A_329 = arith.index_cast %swap3A_328 : i32 to index
      %swap3A_330 = arith.index_cast %scan3A_12 : i32 to index
      %swap3A_331 = arith.constant 80 : index
      %swap3A_332 = tpu.vector_load %arg6[%swap3A_329, %swap3A_330, %swap3A_331] {strides = array<i32>} : memref<16x33x96xf32, #tpu.memory_space<vmem>>, vector<1x1x16xf32>,
      %swap3A_333 = vector.shape_cast %swap3A_332 : vector<1x1x16xf32> to vector<16xf32>
      %swap3A_334 = vector.shape_cast %broadcast_in_dim3A_327 : vector<16xf32> to vector<1x1x16xf32>
      tpu.vector_store %arg6[%swap3A_329, %swap3A_330, %swap3A_331], %swap3A_334 {strides = array<i32>} : memref<16x33x96xf32, #tpu.memory_space<vmem>>, vector<1x1x16xf32>,
      %broadcast_in_dim3A_335 = arith.constant 0.000000e+00 : f32
      %broadcast_in_dim3A_336 = vector.broadcast %broadcast_in_dim3A_335 : f32 to vector<16xf32>
      %swap3A_337 = arith.constant 12 : i32
      %swap3A_338 = arith.index_cast %swap3A_337 : i32 to index
      %swap3A_339 = arith.index_cast %scan3A_12 : i32 to index
      %swap3A_340 = arith.constant 0 : index
      %swap3A_341 = tpu.vector_load %arg6[%swap3A_338, %swap3A_339, %swap3A_340] {strides = array<i32>} : memref<16x33x96xf32, #tpu.memory_space<vmem>>, vector<1x1x16xf32>,
      %swap3A_342 = vector.shape_cast %swap3A_341 : vector<1x1x16xf32> to vector<16xf32>
      %swap3A_343 = vector.shape_cast %broadcast_in_dim3A_336 : vector<16xf32> to vector<1x1x16xf32>
      tpu.vector_store %arg6[%swap3A_338, %swap3A_339, %swap3A_340], %swap3A_343 {strides = array<i32>} : memref<16x33x96xf32, #tpu.memory_space<vmem>>, vector<1x1x16xf32>,
      %broadcast_in_dim3A_344 = arith.constant 0.000000e+00 : f32
      %broadcast_in_dim3A_345 = vector.broadcast %broadcast_in_dim3A_344 : f32 to vector<16xf32>
      %swap3A_346 = arith.constant 12 : i32
      %swap3A_347 = arith.index_cast %swap3A_346 : i32 to index
      %swap3A_348 = arith.index_cast %scan3A_12 : i32 to index
      %swap3A_349 = arith.constant 64 : index
      %swap3A_350 = tpu.vector_load %arg6[%swap3A_347, %swap3A_348, %swap3A_349] {strides = array<i32>} : memref<16x33x96xf32, #tpu.memory_space<vmem>>, vector<1x1x16xf32>,
      %swap3A_351 = vector.shape_cast %swap3A_350 : vector<1x1x16xf32> to vector<16xf32>
      %swap3A_352 = vector.shape_cast %broadcast_in_dim3A_345 : vector<16xf32> to vector<1x1x16xf32>
      tpu.vector_store %arg6[%swap3A_347, %swap3A_348, %swap3A_349], %swap3A_352 {strides = array<i32>} : memref<16x33x96xf32, #tpu.memory_space<vmem>>, vector<1x1x16xf32>,
      %broadcast_in_dim3A_353 = arith.constant 0.000000e+00 : f32
      %broadcast_in_dim3A_354 = vector.broadcast %broadcast_in_dim3A_353 : f32 to vector<16xf32>
      %swap3A_355 = arith.constant 12 : i32
      %swap3A_356 = arith.index_cast %swap3A_355 : i32 to index
      %swap3A_357 = arith.index_cast %scan3A_12 : i32 to index
      %swap3A_358 = arith.constant 80 : index
      %swap3A_359 = tpu.vector_load %arg6[%swap3A_356, %swap3A_357, %swap3A_358] {strides = array<i32>} : memref<16x33x96xf32, #tpu.memory_space<vmem>>, vector<1x1x16xf32>,
      %swap3A_360 = vector.shape_cast %swap3A_359 : vector<1x1x16xf32> to vector<16xf32>
      %swap3A_361 = vector.shape_cast %broadcast_in_dim3A_354 : vector<16xf32> to vector<1x1x16xf32>
      tpu.vector_store %arg6[%swap3A_356, %swap3A_357, %swap3A_358], %swap3A_361 {strides = array<i32>} : memref<16x33x96xf32, #tpu.memory_space<vmem>>, vector<1x1x16xf32>,
      %broadcast_in_dim3A_362 = arith.constant 0.000000e+00 : f32
      %broadcast_in_dim3A_363 = vector.broadcast %broadcast_in_dim3A_362 : f32 to vector<16xf32>
      %swap3A_364 = arith.constant 13 : i32
      %swap3A_365 = arith.index_cast %swap3A_364 : i32 to index
      %swap3A_366 = arith.index_cast %scan3A_12 : i32 to index
      %swap3A_367 = arith.constant 0 : index
      %swap3A_368 = tpu.vector_load %arg6[%swap3A_365, %swap3A_366, %swap3A_367] {strides = array<i32>} : memref<16x33x96xf32, #tpu.memory_space<vmem>>, vector<1x1x16xf32>,
      %swap3A_369 = vector.shape_cast %swap3A_368 : vector<1x1x16xf32> to vector<16xf32>
      %swap3A_370 = vector.shape_cast %broadcast_in_dim3A_363 : vector<16xf32> to vector<1x1x16xf32>
      tpu.vector_store %arg6[%swap3A_365, %swap3A_366, %swap3A_367], %swap3A_370 {strides = array<i32>} : memref<16x33x96xf32, #tpu.memory_space<vmem>>, vector<1x1x16xf32>,
      %broadcast_in_dim3A_371 = arith.constant 0.000000e+00 : f32
      %broadcast_in_dim3A_372 = vector.broadcast %broadcast_in_dim3A_371 : f32 to vector<16xf32>
      %swap3A_373 = arith.constant 13 : i32
      %swap3A_374 = arith.index_cast %swap3A_373 : i32 to index
      %swap3A_375 = arith.index_cast %scan3A_12 : i32 to index
      %swap3A_376 = arith.constant 64 : index
      %swap3A_377 = tpu.vector_load %arg6[%swap3A_374, %swap3A_375, %swap3A_376] {strides = array<i32>} : memref<16x33x96xf32, #tpu.memory_space<vmem>>, vector<1x1x16xf32>,
      %swap3A_378 = vector.shape_cast %swap3A_377 : vector<1x1x16xf32> to vector<16xf32>
      %swap3A_379 = vector.shape_cast %broadcast_in_dim3A_372 : vector<16xf32> to vector<1x1x16xf32>
      tpu.vector_store %arg6[%swap3A_374, %swap3A_375, %swap3A_376], %swap3A_379 {strides = array<i32>} : memref<16x33x96xf32, #tpu.memory_space<vmem>>, vector<1x1x16xf32>,
      %broadcast_in_dim3A_380 = arith.constant 0.000000e+00 : f32
      %broadcast_in_dim3A_381 = vector.broadcast %broadcast_in_dim3A_380 : f32 to vector<16xf32>
      %swap3A_382 = arith.constant 13 : i32
      %swap3A_383 = arith.index_cast %swap3A_382 : i32 to index
      %swap3A_384 = arith.index_cast %scan3A_12 : i32 to index
      %swap3A_385 = arith.constant 80 : index
      %swap3A_386 = tpu.vector_load %arg6[%swap3A_383, %swap3A_384, %swap3A_385] {strides = array<i32>} : memref<16x33x96xf32, #tpu.memory_space<vmem>>, vector<1x1x16xf32>,
      %swap3A_387 = vector.shape_cast %swap3A_386 : vector<1x1x16xf32> to vector<16xf32>
      %swap3A_388 = vector.shape_cast %broadcast_in_dim3A_381 : vector<16xf32> to vector<1x1x16xf32>
      tpu.vector_store %arg6[%swap3A_383, %swap3A_384, %swap3A_385], %swap3A_388 {strides = array<i32>} : memref<16x33x96xf32, #tpu.memory_space<vmem>>, vector<1x1x16xf32>,
      %broadcast_in_dim3A_389 = arith.constant 0.000000e+00 : f32
      %broadcast_in_dim3A_390 = vector.broadcast %broadcast_in_dim3A_389 : f32 to vector<16xf32>
      %swap3A_391 = arith.constant 14 : i32
      %swap3A_392 = arith.index_cast %swap3A_391 : i32 to index
      %swap3A_393 = arith.index_cast %scan3A_12 : i32 to index
      %swap3A_394 = arith.constant 0 : index
      %swap3A_395 = tpu.vector_load %arg6[%swap3A_392, %swap3A_393, %swap3A_394] {strides = array<i32>} : memref<16x33x96xf32, #tpu.memory_space<vmem>>, vector<1x1x16xf32>,
      %swap3A_396 = vector.shape_cast %swap3A_395 : vector<1x1x16xf32> to vector<16xf32>
      %swap3A_397 = vector.shape_cast %broadcast_in_dim3A_390 : vector<16xf32> to vector<1x1x16xf32>
      tpu.vector_store %arg6[%swap3A_392, %swap3A_393, %swap3A_394], %swap3A_397 {strides = array<i32>} : memref<16x33x96xf32, #tpu.memory_space<vmem>>, vector<1x1x16xf32>,
      %broadcast_in_dim3A_398 = arith.constant 0.000000e+00 : f32
      %broadcast_in_dim3A_399 = vector.broadcast %broadcast_in_dim3A_398 : f32 to vector<16xf32>
      %swap3A_400 = arith.constant 14 : i32
      %swap3A_401 = arith.index_cast %swap3A_400 : i32 to index
      %swap3A_402 = arith.index_cast %scan3A_12 : i32 to index
      %swap3A_403 = arith.constant 64 : index
      %swap3A_404 = tpu.vector_load %arg6[%swap3A_401, %swap3A_402, %swap3A_403] {strides = array<i32>} : memref<16x33x96xf32, #tpu.memory_space<vmem>>, vector<1x1x16xf32>,
      %swap3A_405 = vector.shape_cast %swap3A_404 : vector<1x1x16xf32> to vector<16xf32>
      %swap3A_406 = vector.shape_cast %broadcast_in_dim3A_399 : vector<16xf32> to vector<1x1x16xf32>
      tpu.vector_store %arg6[%swap3A_401, %swap3A_402, %swap3A_403], %swap3A_406 {strides = array<i32>} : memref<16x33x96xf32, #tpu.memory_space<vmem>>, vector<1x1x16xf32>,
      %broadcast_in_dim3A_407 = arith.constant 0.000000e+00 : f32
      %broadcast_in_dim3A_408 = vector.broadcast %broadcast_in_dim3A_407 : f32 to vector<16xf32>
      %swap3A_409 = arith.constant 14 : i32
      %swap3A_410 = arith.index_cast %swap3A_409 : i32 to index
      %swap3A_411 = arith.index_cast %scan3A_12 : i32 to index
      %swap3A_412 = arith.constant 80 : index
      %swap3A_413 = tpu.vector_load %arg6[%swap3A_410, %swap3A_411, %swap3A_412] {strides = array<i32>} : memref<16x33x96xf32, #tpu.memory_space<vmem>>, vector<1x1x16xf32>,
      %swap3A_414 = vector.shape_cast %swap3A_413 : vector<1x1x16xf32> to vector<16xf32>
      %swap3A_415 = vector.shape_cast %broadcast_in_dim3A_408 : vector<16xf32> to vector<1x1x16xf32>
      tpu.vector_store %arg6[%swap3A_410, %swap3A_411, %swap3A_412], %swap3A_415 {strides = array<i32>} : memref<16x33x96xf32, #tpu.memory_space<vmem>>, vector<1x1x16xf32>,
      %broadcast_in_dim3A_416 = arith.constant 0.000000e+00 : f32
      %broadcast_in_dim3A_417 = vector.broadcast %broadcast_in_dim3A_416 : f32 to vector<16xf32>
      %swap3A_418 = arith.constant 15 : i32
      %swap3A_419 = arith.index_cast %swap3A_418 : i32 to index
      %swap3A_420 = arith.index_cast %scan3A_12 : i32 to index
      %swap3A_421 = arith.constant 0 : index
      %swap3A_422 = tpu.vector_load %arg6[%swap3A_419, %swap3A_420, %swap3A_421] {strides = array<i32>} : memref<16x33x96xf32, #tpu.memory_space<vmem>>, vector<1x1x16xf32>,
      %swap3A_423 = vector.shape_cast %swap3A_422 : vector<1x1x16xf32> to vector<16xf32>
      %swap3A_424 = vector.shape_cast %broadcast_in_dim3A_417 : vector<16xf32> to vector<1x1x16xf32>
      tpu.vector_store %arg6[%swap3A_419, %swap3A_420, %swap3A_421], %swap3A_424 {strides = array<i32>} : memref<16x33x96xf32, #tpu.memory_space<vmem>>, vector<1x1x16xf32>,
      %broadcast_in_dim3A_425 = arith.constant 0.000000e+00 : f32
      %broadcast_in_dim3A_426 = vector.broadcast %broadcast_in_dim3A_425 : f32 to vector<16xf32>
      %swap3A_427 = arith.constant 15 : i32
      %swap3A_428 = arith.index_cast %swap3A_427 : i32 to index
      %swap3A_429 = arith.index_cast %scan3A_12 : i32 to index
      %swap3A_430 = arith.constant 64 : index
      %swap3A_431 = tpu.vector_load %arg6[%swap3A_428, %swap3A_429, %swap3A_430] {strides = array<i32>} : memref<16x33x96xf32, #tpu.memory_space<vmem>>, vector<1x1x16xf32>,
      %swap3A_432 = vector.shape_cast %swap3A_431 : vector<1x1x16xf32> to vector<16xf32>
      %swap3A_433 = vector.shape_cast %broadcast_in_dim3A_426 : vector<16xf32> to vector<1x1x16xf32>
      tpu.vector_store %arg6[%swap3A_428, %swap3A_429, %swap3A_430], %swap3A_433 {strides = array<i32>} : memref<16x33x96xf32, #tpu.memory_space<vmem>>, vector<1x1x16xf32>,
      %broadcast_in_dim3A_434 = arith.constant 0.000000e+00 : f32
      %broadcast_in_dim3A_435 = vector.broadcast %broadcast_in_dim3A_434 : f32 to vector<16xf32>
      %swap3A_436 = arith.constant 15 : i32
      %swap3A_437 = arith.index_cast %swap3A_436 : i32 to index
      %swap3A_438 = arith.index_cast %scan3A_12 : i32 to index
      %swap3A_439 = arith.constant 80 : index
      %swap3A_440 = tpu.vector_load %arg6[%swap3A_437, %swap3A_438, %swap3A_439] {strides = array<i32>} : memref<16x33x96xf32, #tpu.memory_space<vmem>>, vector<1x1x16xf32>,
      %swap3A_441 = vector.shape_cast %swap3A_440 : vector<1x1x16xf32> to vector<16xf32>
      %swap3A_442 = vector.shape_cast %broadcast_in_dim3A_435 : vector<16xf32> to vector<1x1x16xf32>
      tpu.vector_store %arg6[%swap3A_437, %swap3A_438, %swap3A_439], %swap3A_442 {strides = array<i32>} : memref<16x33x96xf32, #tpu.memory_space<vmem>>, vector<1x1x16xf32>,
    }
    %scan3A_6 = arith.constant 33 : i32
    %scan3A_7 = arith.constant 0 : i32
    %scan3A_8 = arith.constant 4 : i32
    %scan3A_9 = arith.addi %scan3A_7, %scan3A_8 : i32
    %scan3A_10 = arith.constant 1 : i32
    scf.for %scan3A_12 = %scan3A_7 to %scan3A_9 step %scan3A_10  : i32 {
      %get3A = arith.index_cast %scan3A_12 : i32 to index
      %get3A_13 = arith.constant 0 : index
      %get3A_14 = tpu.vector_load %arg8[%get3A, %get3A_13] {strides = array<i32>} : memref<4x16xi32, #tpu.memory_space<vmem>>, vector<1x16xi32>,
      %get3A_15 = vector.shape_cast %get3A_14 : vector<1x16xi32> to vector<16xi32>
      %slice3A = vector.extract_strided_slice %get3A_15 {offsets = [0], sizes = [1], strides = [1]} : vector<16xi32> to vector<1xi32>
      %squeeze3A = vector.extract %slice3A[0] : i32 from vector<1xi32>
      %slice3A_16 = vector.extract_strided_slice %get3A_15 {offsets = [1], sizes = [1], strides = [1]} : vector<16xi32> to vector<1xi32>
      %squeeze3A_17 = vector.extract %slice3A_16[0] : i32 from vector<1xi32>
      %slice3A_18 = vector.extract_strided_slice %get3A_15 {offsets = [2], sizes = [1], strides = [1]} : vector<16xi32> to vector<1xi32>
      %squeeze3A_19 = vector.extract %slice3A_18[0] : i32 from vector<1xi32>
      %multiple_of3A = tpu.assume_multiple %squeeze3A_19, 16 : i32
      %slice3A_20 = vector.extract_strided_slice %get3A_15 {offsets = [3], sizes = [1], strides = [1]} : vector<16xi32> to vector<1xi32>
      %squeeze3A_21 = vector.extract %slice3A_20[0] : i32 from vector<1xi32>
      %mul3A_22 = arith.constant 4 : i32
      %mul3A_23 = arith.muli %add3A, %mul3A_22 : i32
      %add3A_24 = arith.addi %mul3A_23, %scan3A_12 : i32
      %scan3A_25 = arith.constant 0 : i32
      %scan3A_26 = arith.constant 2 : i32
      %scan3A_27 = arith.addi %scan3A_25, %scan3A_26 : i32
      %scan3A_28 = arith.constant 1 : i32
      scf.for %scan3A_30 = %scan3A_25 to %scan3A_27 step %scan3A_28  : i32 {
        %mul3A_31 = arith.constant 16 : i32
        %mul3A_32 = arith.muli %scan3A_30, %mul3A_31 : i32
        "tpu.region"() ({
          %run_scoped3A = tpu.sem_alloc : memref<!tpu.dma_semaphore, #tpu.memory_space<semaphore_mem>>
          %dma_start3A = arith.constant 0 : i32
          %dma_start3A_40 = arith.constant 0 : i32
          %dma_start3A_41 = arith.constant 16 : i32
          %dma_start3A_42 = tpu.memref_slice %arg6[%dma_start3A, %dma_start3A_40, %dma_start3A_41] : memref<16x33x96xf32, #tpu.memory_space<vmem>> -> memref<16x33x48xf32, #tpu.memory_space<vmem>>
          %dma_start3A_43 = tpu.memref_slice %arg2[%add3A_24, %mul3A_32, %squeeze3A, %multiple_of3A] : memref<128x32x128x128xf32, #tpu.memory_space<hbm>> -> memref<1x16x33x48xf32, #tpu.memory_space<hbm>>
          %dma_start3A_44 = tpu.memref_squeeze %dma_start3A_43 : memref<1x16x33x48xf32, #tpu.memory_space<hbm>> -> memref<16x33x48xf32, #tpu.memory_space<hbm>>
          %dma_start3A_45 = arith.constant 0 : i32
          %dma_start3A_46 = arith.constant 0 : i32
          %dma_start3A_47 = arith.constant 16 : i32
          %dma_start3A_48 = tpu.memref_slice %arg6[%dma_start3A_45, %dma_start3A_46, %dma_start3A_47] : memref<16x33x96xf32, #tpu.memory_space<vmem>> -> memref<16x33x48xf32, #tpu.memory_space<vmem>>
          %dma_start3A_49 = tpu.memref_slice %arg2[%add3A_24, %mul3A_32, %squeeze3A, %multiple_of3A] : memref<128x32x128x128xf32, #tpu.memory_space<hbm>> -> memref<1x16x33x48xf32, #tpu.memory_space<hbm>>
          %dma_start3A_50 = tpu.memref_squeeze %dma_start3A_49 : memref<1x16x33x48xf32, #tpu.memory_space<hbm>> -> memref<16x33x48xf32, #tpu.memory_space<hbm>>
          tpu.enqueue_dma source(%dma_start3A_50 : memref<16x33x48xf32, #tpu.memory_space<hbm>>) target(%dma_start3A_48 : memref<16x33x48xf32, #tpu.memory_space<vmem>>) target_semaphore(%run_scoped3A : memref<!tpu.dma_semaphore, #tpu.memory_space<semaphore_mem>>)
          %dma_wait3A = arith.constant 0 : i32
          %dma_wait3A_51 = arith.constant 0 : i32
          %dma_wait3A_52 = arith.constant 16 : i32
          %dma_wait3A_53 = tpu.memref_slice %arg6[%dma_wait3A, %dma_wait3A_51, %dma_wait3A_52] : memref<16x33x96xf32, #tpu.memory_space<vmem>> -> memref<16x33x48xf32, #tpu.memory_space<vmem>>
          %dma_wait3A_54 = tpu.memref_slice %arg2[%add3A_24, %mul3A_32, %squeeze3A, %multiple_of3A] : memref<128x32x128x128xf32, #tpu.memory_space<hbm>> -> memref<1x16x33x48xf32, #tpu.memory_space<hbm>>
          %dma_wait3A_55 = tpu.memref_squeeze %dma_wait3A_54 : memref<1x16x33x48xf32, #tpu.memory_space<hbm>> -> memref<16x33x48xf32, #tpu.memory_space<hbm>>
          %dma_wait3A_56 = arith.constant 0 : i32
          %dma_wait3A_57 = arith.constant 0 : i32
          %dma_wait3A_58 = arith.constant 16 : i32
          %dma_wait3A_59 = tpu.memref_slice %arg6[%dma_wait3A_56, %dma_wait3A_57, %dma_wait3A_58] : memref<16x33x96xf32, #tpu.memory_space<vmem>> -> memref<16x33x48xf32, #tpu.memory_space<vmem>>
          %dma_wait3A_60 = tpu.memref_slice %arg2[%add3A_24, %mul3A_32, %squeeze3A, %multiple_of3A] : memref<128x32x128x128xf32, #tpu.memory_space<hbm>> -> memref<1x16x33x48xf32, #tpu.memory_space<hbm>>
          %dma_wait3A_61 = tpu.memref_squeeze %dma_wait3A_60 : memref<1x16x33x48xf32, #tpu.memory_space<hbm>> -> memref<16x33x48xf32, #tpu.memory_space<hbm>>
          tpu.wait_dma2 semaphore(%run_scoped3A : memref<!tpu.dma_semaphore, #tpu.memory_space<semaphore_mem>>) src(%dma_wait3A_61 : memref<16x33x48xf32, #tpu.memory_space<hbm>>) dst(%dma_wait3A_59 : memref<16x33x48xf32, #tpu.memory_space<vmem>>)
          tpu.yield
        }) : () -> ()
        %scan3A_33 = arith.constant 0 : i32
        %scan3A_34 = arith.constant 16 : i32
        %scan3A_35 = arith.addi %scan3A_33, %scan3A_34 : i32
        %scan3A_36 = arith.constant 1 : i32
        scf.for %scan3A_40 = %scan3A_33 to %scan3A_35 step %scan3A_36  : i32 {
          %scan3A_41 = arith.constant 0 : i32
          %scan3A_42 = arith.constant 33 : i32
          %scan3A_43 = arith.addi %scan3A_41, %scan3A_42 : i32
          %scan3A_44 = arith.constant 1 : i32
          scf.for %scan3A_46 = %scan3A_41 to %scan3A_43 step %scan3A_44  : i32 {
            %add3A_47 = arith.addi %scan3A_46, %squeeze3A_17 : i32
            %jit3A = arith.constant 0 : i32
            %jit3A_48 = arith.constant 32 : i32
            %max3A = arith.maxsi %jit3A, %add3A_47 : i32
            %min3A = arith.minsi %jit3A_48, %max3A : i32
            %add3A_49 = arith.addi %squeeze3A, %squeeze3A_17 : i32
            %add3A_50 = arith.addi %add3A_49, %scan3A_46 : i32
            %ge3A = arith.constant 0 : i32
            %ge3A_51 = arith.cmpi sge, %add3A_50, %ge3A : i32
            %lt3A = arith.constant 128 : i32
            %lt3A_52 = arith.cmpi slt, %add3A_50, %lt3A : i32
            %and3A = arith.andi %ge3A_51, %lt3A_52 : i1
            %jit3A_53 = arith.constant 1.000000e+00 : f32
            %jit3A_54 = arith.constant 0.000000e+00 : f32
            %select_n3A = arith.select %and3A, %jit3A_53, %jit3A_54 : f32
            %mul3A_55 = arith.constant 1089 : i32
            %mul3A_56 = arith.muli %scan3A_40, %mul3A_55 : i32
            %mul3A_57 = arith.constant 33 : i32
            %mul3A_58 = arith.muli %scan3A_46, %mul3A_57 : i32
            %add3A_59 = arith.addi %mul3A_56, %mul3A_58 : i32
            %add3A_60 = arith.constant 16 : i32
            %add3A_61 = arith.addi %add3A_60, %squeeze3A_21 : i32
            %get3A_62 = arith.index_cast %scan3A_46 : i32 to index
            %get3A_63 = arith.constant 0 : index
            %get3A_64 = tpu.vector_load %arg9[%get3A_62, %get3A_63] {strides = array<i32>} : memref<33x48xf32, #tpu.memory_space<vmem>>, vector<1x16xf32>,
            %get3A_65 = vector.shape_cast %get3A_64 : vector<1x16xf32> to vector<16xf32>
            %mul3A_66 = vector.broadcast %select_n3A : f32 to vector<16xf32>
            %mul3A_67 = arith.mulf %get3A_65, %mul3A_66 : vector<16xf32>
            %add3A_68 = arith.constant 0 : i32
            %add3A_69 = arith.addi %add3A_61, %add3A_68 : i32
            %get3A_70 = arith.index_cast %scan3A_40 : i32 to index
            %get3A_71 = arith.index_cast %min3A : i32 to index
            %get3A_72 = arith.index_cast %add3A_69 : i32 to index
            %get3A_73 = tpu.vector_load %arg6[%get3A_70, %get3A_71, %get3A_72] {strides = array<i32>} : memref<16x33x96xf32, #tpu.memory_space<vmem>>, vector<1x1x16xf32>,
            %get3A_74 = vector.shape_cast %get3A_73 : vector<1x1x16xf32> to vector<16xf32>
            %mul3A_75 = arith.mulf %get3A_74, %mul3A_67 : vector<16xf32>
            %add3A_76 = arith.constant 0 : i32
            %add3A_77 = arith.addi %add3A_59, %add3A_76 : i32
            %swap3A = arith.index_cast %add3A_77 : i32 to index
            %swap3A_78 = tpu.vector_load %arg7[%swap3A] {strides = array<i32>} : memref<17448xf32, #tpu.memory_space<vmem>>, vector<16xf32>,
            %swap3A_79 = vector.shape_cast %swap3A_78 : vector<16xf32> to vector<16xf32>
            %swap3A_80 = vector.shape_cast %mul3A_75 : vector<16xf32> to vector<16xf32>
            tpu.vector_store %arg7[%swap3A], %swap3A_80 {strides = array<i32>} : memref<17448xf32, #tpu.memory_space<vmem>>, vector<16xf32>,
            %get3A_81 = arith.index_cast %scan3A_46 : i32 to index
            %get3A_82 = arith.constant 16 : index
            %get3A_83 = tpu.vector_load %arg9[%get3A_81, %get3A_82] {strides = array<i32>} : memref<33x48xf32, #tpu.memory_space<vmem>>, vector<1x16xf32>,
            %get3A_84 = vector.shape_cast %get3A_83 : vector<1x16xf32> to vector<16xf32>
            %mul3A_85 = vector.broadcast %select_n3A : f32 to vector<16xf32>
            %mul3A_86 = arith.mulf %get3A_84, %mul3A_85 : vector<16xf32>
            %add3A_87 = arith.constant 16 : i32
            %add3A_88 = arith.addi %add3A_61, %add3A_87 : i32
            %get3A_89 = arith.index_cast %scan3A_40 : i32 to index
            %get3A_90 = arith.index_cast %min3A : i32 to index
            %get3A_91 = arith.index_cast %add3A_88 : i32 to index
            %get3A_92 = tpu.vector_load %arg6[%get3A_89, %get3A_90, %get3A_91] {strides = array<i32>} : memref<16x33x96xf32, #tpu.memory_space<vmem>>, vector<1x1x16xf32>,
            %get3A_93 = vector.shape_cast %get3A_92 : vector<1x1x16xf32> to vector<16xf32>
            %mul3A_94 = arith.mulf %get3A_93, %mul3A_86 : vector<16xf32>
            %add3A_95 = arith.constant 16 : i32
            %add3A_96 = arith.addi %add3A_59, %add3A_95 : i32
            %swap3A_97 = arith.index_cast %add3A_96 : i32 to index
            %swap3A_98 = tpu.vector_load %arg7[%swap3A_97] {strides = array<i32>} : memref<17448xf32, #tpu.memory_space<vmem>>, vector<16xf32>,
            %swap3A_99 = vector.shape_cast %swap3A_98 : vector<16xf32> to vector<16xf32>
            %swap3A_100 = vector.shape_cast %mul3A_94 : vector<16xf32> to vector<16xf32>
            tpu.vector_store %arg7[%swap3A_97], %swap3A_100 {strides = array<i32>} : memref<17448xf32, #tpu.memory_space<vmem>>, vector<16xf32>,
            %get3A_101 = arith.index_cast %scan3A_46 : i32 to index
            %get3A_102 = arith.constant 32 : index
            %get3A_103 = tpu.vector_load %arg9[%get3A_101, %get3A_102] {strides = array<i32>} : memref<33x48xf32, #tpu.memory_space<vmem>>, vector<1x16xf32>,
            %get3A_104 = vector.shape_cast %get3A_103 : vector<1x16xf32> to vector<16xf32>
            %mul3A_105 = vector.broadcast %select_n3A : f32 to vector<16xf32>
            %mul3A_106 = arith.mulf %get3A_104, %mul3A_105 : vector<16xf32>
            %add3A_107 = arith.constant 32 : i32
            %add3A_108 = arith.addi %add3A_61, %add3A_107 : i32
            %get3A_109 = arith.index_cast %scan3A_40 : i32 to index
            %get3A_110 = arith.index_cast %min3A : i32 to index
            %get3A_111 = arith.index_cast %add3A_108 : i32 to index
            %get3A_112 = tpu.vector_load %arg6[%get3A_109, %get3A_110, %get3A_111] {strides = array<i32>} : memref<16x33x96xf32, #tpu.memory_space<vmem>>, vector<1x1x16xf32>,
            %get3A_113 = vector.shape_cast %get3A_112 : vector<1x1x16xf32> to vector<16xf32>
            %mul3A_114 = arith.mulf %get3A_113, %mul3A_106 : vector<16xf32>
            %add3A_115 = arith.constant 32 : i32
            %add3A_116 = arith.addi %add3A_59, %add3A_115 : i32
            %swap3A_117 = arith.index_cast %add3A_116 : i32 to index
            %swap3A_118 = tpu.vector_load %arg7[%swap3A_117] {strides = array<i32>} : memref<17448xf32, #tpu.memory_space<vmem>>, vector<16xf32>,
            %swap3A_119 = vector.shape_cast %swap3A_118 : vector<16xf32> to vector<16xf32>
            %swap3A_120 = vector.shape_cast %mul3A_114 : vector<16xf32> to vector<16xf32>
            tpu.vector_store %arg7[%swap3A_117], %swap3A_120 {strides = array<i32>} : memref<17448xf32, #tpu.memory_space<vmem>>, vector<16xf32>,
          }
          %scan3A_45 = arith.constant 33 : i32
        }
        %scan3A_37 = arith.constant 16 : i32
        %mul3A_38 = arith.constant 17424 : i32
        %mul3A_39 = arith.muli %scan3A_30, %mul3A_38 : i32
        "tpu.region"() ({
          %run_scoped3A = tpu.sem_alloc : memref<!tpu.dma_semaphore, #tpu.memory_space<semaphore_mem>>
          %dma_start3A = arith.constant 0 : i32
          %dma_start3A_40 = tpu.memref_slice %arg7[%dma_start3A] : memref<17448xf32, #tpu.memory_space<vmem>> -> memref<17424xf32, #tpu.memory_space<vmem>>
          %dma_start3A_41 = tpu.memref_slice %arg5[%add3A_24, %mul3A_39] : memref<128x34848xf32, #tpu.memory_space<hbm>> -> memref<1x17424xf32, #tpu.memory_space<hbm>>
          %dma_start3A_42 = tpu.memref_squeeze %dma_start3A_41 : memref<1x17424xf32, #tpu.memory_space<hbm>> -> memref<17424xf32, #tpu.memory_space<hbm>>
          %dma_start3A_43 = tpu.memref_slice %arg5[%add3A_24, %mul3A_39] : memref<128x34848xf32, #tpu.memory_space<hbm>> -> memref<1x17424xf32, #tpu.memory_space<hbm>>
          %dma_start3A_44 = tpu.memref_squeeze %dma_start3A_43 : memref<1x17424xf32, #tpu.memory_space<hbm>> -> memref<17424xf32, #tpu.memory_space<hbm>>
          %dma_start3A_45 = arith.constant 0 : i32
          %dma_start3A_46 = tpu.memref_slice %arg7[%dma_start3A_45] : memref<17448xf32, #tpu.memory_space<vmem>> -> memref<17424xf32, #tpu.memory_space<vmem>>
          tpu.enqueue_dma source(%dma_start3A_46 : memref<17424xf32, #tpu.memory_space<vmem>>) target(%dma_start3A_44 : memref<17424xf32, #tpu.memory_space<hbm>>) target_semaphore(%run_scoped3A : memref<!tpu.dma_semaphore, #tpu.memory_space<semaphore_mem>>)
          %dma_wait3A = arith.constant 0 : i32
          %dma_wait3A_47 = tpu.memref_slice %arg7[%dma_wait3A] : memref<17448xf32, #tpu.memory_space<vmem>> -> memref<17424xf32, #tpu.memory_space<vmem>>
          %dma_wait3A_48 = tpu.memref_slice %arg5[%add3A_24, %mul3A_39] : memref<128x34848xf32, #tpu.memory_space<hbm>> -> memref<1x17424xf32, #tpu.memory_space<hbm>>
          %dma_wait3A_49 = tpu.memref_squeeze %dma_wait3A_48 : memref<1x17424xf32, #tpu.memory_space<hbm>> -> memref<17424xf32, #tpu.memory_space<hbm>>
          %dma_wait3A_50 = tpu.memref_slice %arg5[%add3A_24, %mul3A_39] : memref<128x34848xf32, #tpu.memory_space<hbm>> -> memref<1x17424xf32, #tpu.memory_space<hbm>>
          %dma_wait3A_51 = tpu.memref_squeeze %dma_wait3A_50 : memref<1x17424xf32, #tpu.memory_space<hbm>> -> memref<17424xf32, #tpu.memory_space<hbm>>
          %dma_wait3A_52 = arith.constant 0 : i32
          %dma_wait3A_53 = tpu.memref_slice %arg7[%dma_wait3A_52] : memref<17448xf32, #tpu.memory_space<vmem>> -> memref<17424xf32, #tpu.memory_space<vmem>>
          tpu.wait_dma2 semaphore(%run_scoped3A : memref<!tpu.dma_semaphore, #tpu.memory_space<semaphore_mem>>) src(%dma_wait3A_53 : memref<17424xf32, #tpu.memory_space<vmem>>) dst(%dma_wait3A_51 : memref<17424xf32, #tpu.memory_space<hbm>>)
          tpu.yield
        }) : () -> ()
      }
      %scan3A_29 = arith.constant 2 : i32
    }
    %scan3A_11 = arith.constant 4 : i32
    return
  }
}

</mosaic_0001>

<sc_bundles>
// kernel: _hexcrop_sc.3.cloned.1.call-start
scs
__scs_entry_jumppad:
0x0: {  	(pc) =	sbr.rel $0x88, $3  }
0x1: {  	(tag) =	ssettag $0x0;
	lr =	simm.s32 $0x1  }
0x2: {  	[smem:$0x3F9E] =	sst lr;
	_ =	strace $0xD0000000  }
0x3: {  	_ = 	snop  }
0x4: {  	_ = 	snop  }
0x5: {  	_ = 	snop  }
0x6: {  	_ = 	snop  }
0x7: {  	_ = 	snop  }
__scs_overlays_trampoline_lowered:
0x8: {  	[smem:$0x3FAD] =	sst s0  }
0x9: {  	[smem:$0x3FAE] =	sst s1  }
0xa: {  	[smem:$0x3FAF] =	sst s2  }
0xb: {  	[smem:$0x3FB0] =	sst s3  }
0xc: {  	[smem:$0x3FB1] =	sst s4  }
0xd: {  	[smem:$0x3FB2] =	sst s5  }
0xe: {  	[smem:$0x3FB3] =	sst s6  }
0xf: {  	[smem:$0x3FB4] =	sst s7  }
0x10: {  	[smem:$0x3FB5] =	sst s8  }
0x11: {  	[smem:$0x3FB6] =	sst s9;
	s0 =	simm.s32 @!p0 $0x0  }
0x12: {  	s1 =	sld [smem:$0x3F9C];
	s0 =	simm.s32 @p0 $0x1  }
0x13: {  	[smem:$0x3FB7] =	sst s0;
	s0 =	simm.s32 @!p1 $0x0  }
0x14: {  	s2 =	sld [smem:$0x3F9B];
	s0 =	simm.s32 @p1 $0x1  }
0x15: {  	[smem:$0x3FB8] =	sst s0;
	s0 =	simm.s32 @!p2 $0x0  }
0x16: {  	s3 =	sld [smem:$0x3FDB];
	s0 =	simm.s32 @p2 $0x1  }
0x17: {  	s4 =	simm.s32 $0x1BF5;
	[smem:$0x3FBA] =	sst s0  }
0x18: {  	s0 =	sld [smem:$0x3F9D];
	_ =	swait.ge [sflag:s4], $0x0  }
0x19: {  	s7 =	sld [smem:$0x3F9E]  }
0x1a: {  	s8 =	sadd.s32 $0xFFFFE003, lr  }
0x1b: {  	s9 =	sadd.s32 $0xFFFFFEF7, lr;
	s5 =	simm.s32 $0xFFFFFFFF;
	p2 =	slt.u32 s8, $0xFFFFF086  }
0x1c: {  	p1 =	slt.u32 s9, $0xF7A;
	s5 =	simm.s32 @!p2 $0x0  }
0x1d: {  	s5 =	simm.s32 @p1 $0x1;
	p0 =	seq.s32 s7, s2  }
0x1e: {  	s7 =	smul.u32 @!p0 $0xF7A, s2;
	p2 =	seq.s32 @!p0 s5, $0x0  }
0x1f: {  	s9 =	smul.u32 $0xF7A, s1;
	s8 =	simm.s32 @!p0 $0x1BF5;
	p2 =	por !p2, p0  }
0x20: {  	[sflag:s8] =	ssyncset.s32 @!p0 $0xFFFFF086;
	s6 =	sadd.s32 @!p0 s3, s7;
	s7 =	simm.s32 @!p0 $0x108  }
0x21: {  	s3 =	sadd.s32 s3, s9;
	s6 =	sadd.s32 @!p0 $0x88, s6;
	s7 =	simm.s32 @p2 $0x1082  }
0x22: {  	[simem:s7], [sflag:s8] =	dma.local @!p0 [hbm:s6], $0xF7A  }
0x23: {  	s9 =	sor.u32 $0xD0000000, s2;
	s6 =	simm.s32 $0x108;
	_ =	swait.ge @!p0 [sflag:s8], $0x0  }
0x24: {  	s3 =	sadd.s32 $0x88, s3;
	s6 =	simm.s32 @!p1 $0x1082;
	[sflag:s4] =	ssyncset.s32 $0xFFFFF086  }
0x25: {  	[simem:s6], [sflag:s4] =	dma.local [hbm:s3], $0xF7A  }
0x26: {  	[smem:$0x3F9E] =	sst s1;
	(tag) =	ssettag s2;
	_ =	strace s9  }
0x27: {  	s1 =	sld [smem:$0x3FAE]  }
0x28: {  	s2 =	sld [smem:$0x3FAF]  }
0x29: {  	s4 =	sld [smem:$0x3FB1]  }
0x2a: {  	p0 =	seq.s32 s5, $0x0;
	s5 =	sld [smem:$0x3FB2]  }
0x2b: {  	s6 =	sld [smem:$0x3FB3]  }
0x2c: {  	s7 =	sld [smem:$0x3FB4]  }
0x2d: {  	s3 =	simm.s32 $0x108;
	s8 =	sld [smem:$0x3FB5]  }
0x2e: {  	s3 =	simm.s32 @!p0 $0x1082;
	s9 =	sld [smem:$0x3FB6]  }
0x2f: {  	lr =	sadd.s32 s0, s3;
	s0 =	sld [smem:$0x3FAD]  }
0x30: {  	s3 =	sld [smem:$0x3FB0]  }
0x31: {  	[smem:$0x3FB9] =	sst s10  }
0x32: {  	s10 =	sld [smem:$0x3FB7];
	_ =	sdelay $0x3  }
0x33: {  	p0 =	seq.s32 s10, $0x1;
	s10 =	sld [smem:$0x3FB9];
	_ =	sdelay $0x3  }
0x34: {  	[smem:$0x3FB9] =	sst s10  }
0x35: {  	s10 =	sld [smem:$0x3FB8];
	_ =	sdelay $0x3  }
0x36: {  	p1 =	seq.s32 s10, $0x1;
	s10 =	sld [smem:$0x3FB9];
	_ =	sdelay $0x3  }
0x37: {  	[smem:$0x3FB9] =	sst s10  }
0x38: {  	s10 =	sld [smem:$0x3FBA]  }
0x39: {  	_ = 	snop;
	(pc) =	sbr.ind lr, $3  }
0x3a: {  	_ = 	snop  }
0x3b: {  	_ = 	snop  }
0x3c: {  	p2 =	seq.s32 s10, $0x1;
	s10 =	sld [smem:$0x3FB9]  }
0x3d: {  	_ =	shalt  }
0x3e: {  	_ =	shalt  }
0x3f: {  	_ =	shalt  }
0x40: {  	_ =	shalt  }
0x41: {  	_ =	shalt  }
0x42: {  	_ =	shalt  }
0x43: {  	_ =	shalt  }
0x44: {  	_ =	shalt  }
0x45: {  	_ =	shalt  }
0x46: {  	_ =	shalt  }
0x47: {  	_ =	shalt  }
0x48: {  	_ =	shalt  }
0x49: {  	_ =	shalt  }
0x4a: {  	_ =	shalt  }
0x4b: {  	_ =	shalt  }
0x4c: {  	_ =	shalt  }
0x4d: {  	_ =	shalt  }
0x4e: {  	_ =	shalt  }
0x4f: {  	_ =	shalt  }
0x50: {  	_ =	shalt  }
0x51: {  	_ =	shalt  }
0x52: {  	_ =	shalt  }
0x53: {  	_ =	shalt  }
0x54: {  	_ =	shalt  }
0x55: {  	_ =	shalt  }
0x56: {  	_ =	shalt  }
0x57: {  	_ =	shalt  }
0x58: {  	_ =	shalt  }
0x59: {  	_ =	shalt  }
0x5a: {  	_ =	shalt  }
0x5b: {  	_ =	shalt  }
0x5c: {  	_ =	shalt  }
0x5d: {  	_ =	shalt  }
0x5e: {  	_ =	shalt  }
0x5f: {  	_ =	shalt  }
0x60: {  	_ =	shalt  }
0x61: {  	_ =	shalt  }
0x62: {  	_ =	shalt  }
0x63: {  	_ =	shalt  }
0x64: {  	_ =	shalt  }
0x65: {  	_ =	shalt  }
0x66: {  	_ =	shalt  }
0x67: {  	_ =	shalt  }
0x68: {  	_ =	shalt  }
0x69: {  	_ =	shalt  }
0x6a: {  	_ =	shalt  }
0x6b: {  	_ =	shalt  }
0x6c: {  	_ =	shalt  }
0x6d: {  	_ =	shalt  }
0x6e: {  	_ =	shalt  }
0x6f: {  	_ =	shalt  }
0x70: {  	_ =	shalt  }
0x71: {  	_ =	shalt  }
0x72: {  	_ =	shalt  }
0x73: {  	_ =	shalt  }
0x74: {  	_ =	shalt  }
0x75: {  	_ =	shalt  }
0x76: {  	_ =	shalt  }
0x77: {  	_ =	shalt  }
0x78: {  	_ =	shalt  }
0x79: {  	_ =	shalt  }
0x7a: {  	_ =	shalt  }
0x7b: {  	_ =	shalt  }
0x7c: {  	_ =	shalt  }
0x7d: {  	_ =	shalt  }
0x7e: {  	_ =	shalt  }
0x7f: {  	_ =	shalt  }
0x80: {  	_ =	shalt  }
0x81: {  	_ =	shalt  }
0x82: {  	_ =	shalt  }
0x83: {  	_ =	shalt  }
0x84: {  	_ =	shalt  }
0x85: {  	_ =	shalt  }
0x86: {  	_ =	shalt  }
0x87: {  	_ =	shalt  }
.Lfunc_end0:
.L_simem_size_0:
called_computation_lowered:
.L_overlay_start_0:
0x88: {  	s2 =	sld [smem:$0x3FD9]  }
0x89: {  	s3 =	sld [smem:$0x3FFE];
	_ =	sdelay $0x1  }
0x8a: {  	s1 =	srdreg.scid  }
0x8b: {  	s0 =	sand.u32 $0x1, s1  }
0x8c: {  	s17 =	sshll.u32 s0, $0xA;
	s2 =	sadd.s32 s3, s2  }
0x8d: {  	s2 =	sadd.s32 s2, s17  }
0x8e: {  	[smem:$0x3FC5] =	sst s2  }
0x8f: {  	_ = 	snop  }
0x90: {  	s2 =	sld [smem:$0x3FC9]  }
0x91: {  	s18 =	sld [smem:$0x3FD0];
	(tm) =	ssettm $0x1  }
0x92: {  	s4 =	sld [smem:$0x3FFB];
	_ =	sdelay $0x3  }
0x93: {  	_ =	strace s4  }
0x94: {  	s4 =	sld [smem:$0x3FFC];
	_ =	sdelay $0x3  }
0x95: {  	_ =	strace s4  }
0x96: {  	s4 =	sld [smem:$0x3FFD];
	_ =	sdelay $0x3  }
0x97: {  	_ =	strace s4  }
0x98: {  	_ =	strace $0x8FFFFFFF  }
0x99: {  	s19 =	sld [smem:$0x3FDB];
	_ =	sdelay $0x1  }
0x9a: {  	s5 =	simm.s32 $_scs_section_size  }
0x9b: {  	s6 =	simm.s32 $_size__tile_overlayer_lowered;
	s7 =	simm.s32 $_tile_overlayer_lowered  }
0x9c: {  	s22 =	simm.s32 $0x1BFF;
	s21 =	sshll.u32 s7, $0x1;
	s4 =	sadd.s32 s5, s19  }
0x9d: {  	s8 =	simm.s32 $0x0;
	s20 =	sshll.u32 s6, $0x1;
	s6 =	sadd.s32 s21, s4  }
0x9e: {  	[timem:s8], [sflag:s22] =	dma.local [hbm:s6], s20  }
0x9f: {  	_ =	swait.ge [sflag:s22], s20  }
0xa0: {  	s5 =	ssub.s32 $0x0, s20;
	[sflag:s22] =	ssyncset.done $0x0  }
0xa1: {  	[sflag:s22] =	ssyncadd.s32 s5;
	_ =	sdelay $0x1  }
0xa2: {  	s23 =	simm.s32 $0x1B8B  }
0xa3: {  	_ =	swait.ge [sflag:s23], $0x1  }
0xa4: {  	[sflag:s23] =	ssyncset.done $0x0  }
0xa5: {  	s25 =	simm.s32 $0x1B8E;
	s24 =	sld [smem:$0x3FFE];
	[sflag:s23] =	ssyncadd.s32 $0xFFFFFFFF  }
0xa6: {  	s26 =	simm.s32 $execute0_lowered;
	[smem:$0x3FD2] =	sst s25  }
0xa7: {  	s6 =	sshll.u32 s26, $0x1;
	_ =	strace $0x80000046;
	[dreg:$0x1] =	wrdreg $0xFFFFFFFF  }
0xa8: {  	s28 =	simm.s32 $_size_execute0_lowered;
	s4 =	sadd.s32 s4, s6;
	[dreg:$0x0] =	wrdreg $0x0  }
0xa9: {  	s6 =	sshll.u32 s28, $0x1;
	[dreg:$0x2] =	wrdreg s4  }
0xaa: {  	[dreg:$0x3] =	wrdreg s6  }
0xab: {  	[dreg:$0x4] =	wrdreg $0xC0  }
0xac: {  	_ =	task [dreg:s8], $0x5FFFF  }
0xad: {  	[dreg:$0x1] =	wrdreg $0xFFFFFFFF  }
0xae: {  	[dreg:$0x0] =	wrdreg $0x60  }
0xaf: {  	[dreg:$0x2] =	wrdreg s2  }
0xb0: {  	[dreg:$0x3] =	wrdreg s24  }
0xb1: {  	[dreg:$0x4] =	wrdreg s18  }
0xb2: {  	[dreg:$0x5] =	wrdreg $0x9  }
0xb3: {  	_ =	task.clear_ibuf [dreg:s8], $0x6FFFF;
	_ =	strace $0x90000046  }
0xb4: {  	s29 =	simm.s32 $0x9;
	_ =	strace $0x80000048  }
0xb5: {  	_ =	swait.ge [sflag:s29], $0x1  }
0xb6: {  	[sflag:s29] =	ssyncadd.s32 $0xFFFFFFFF  }
0xb7: {  	_ =	strace $0x90000048  }
0xb8: {  	_ =	sfence  }
0xb9: {  	s30 =	sld [smem:$0x0];
	_ =	sdelay $0x2  }
0xba: {  	s31 =	sshll.u32 s1, $0xD;
	s1 =	sshrl.u32 s1, $0x2  }
0xbb: {  	s3 =	sand.u32 $0x4000, s31;
	s1 =	sadd.s32 s1, s30  }
0xbc: {  	s0 =	sor.u32 s3, s0;
	s1 =	sshll.u32 s1, $0x11  }
0xbd: {  	s0 =	sor.u32 s1, s0  }
0xbe: {  	s0 =	sadd.s32 $0x8F2B, s0  }
0xbf: {  	[sflag:s0] =	ssyncadd.remote.s32 $0x1  }
0xc0: {  	_ =	sfence.sel $0xFFFF  }
0xc1: {  	[dreg:$0x0] =	wrdreg $0xFFFFFFFF;
	(pc) =	sbr.abs _section_cstart, $3  }
0xc2: {  	[dreg:$0x1] =	wrdreg $0xFFFFFFFF  }
0xc3: {  	_ =	task.clear_ibuf [dreg:s8], $0x2FFFF;
	_ =	strace $0x9FFFFFFF  }
0xc4: {  	(tm) =	ssettm $0x7FFFFFFF  }
0xc5: {  	_ =	shalt  }
tec
execute0_lowered:
.L_overlay_start_1:
0x0: {  	(tag) =	ssettag $0x1  }
0x1: {  	s1 =	rddreg [dreg:$0x0]  }
0x2: {  	s2 =	srdreg.scid;
	s6 =	rddreg [dreg:$0x1]  }
0x3: {  	s0 =	stileid.u32;
	s3 =	rddreg [dreg:$0x2];
	s4 =	simm.s32 $0x0  }
0x4: {  	s10 =	simm.s32 $0x1;
	s11 =	simm.s32 $0x10A28;
	s2 =	sand.u32 $0x1, s2  }
0x5: {  	s12 =	simm.s32 $0xC600;
	s5 =	sshll.u32 s0, $0x3;
	s7 =	sshll.u32 s2, $0x2  }
0x6: {  	s13 =	simm.s32 $0x0;
	s2 =	ssub.s32 $0x2, s2;
	s5 =	sor.u32 s7, s5  }
0x7: {  	[smem:$0x7FF] =	sst s4;
	s8 =	sshrl.u32 s2, $0x1;
	s7 =	sshll.u32 s5, $0x1  }
0x8: {  	_ =	strace $0x80000047;
	s2 =	ssub.s32 s2, s8;
	s7 =	sadd.s32 s7, s6  }
0x9: {  	v0 =	vimm.f32 $0.0e+00;
	s6 =	sadd.s32 $0x400, s6;
	s8 =	smax.u32 s2, $0x1;
	s7 =	sadd.s32 $0x600, s7  }
.LBB2_1:
0xa: {  	s0 =	simm.s32 $0x10A68  }
0xb: {  	[tilespmem:s0], [sflag:$0x1] =	stream.linear.gather [hbm4b:s6+s4], $0x630, $0x38;
	[tilespmem:$0x11098] =	vst v63  }
0xc: {  	_ =	swait.ge [sflag:s10], $0x630  }
0xd: {  	[sflag:s10] =	ssyncset.done $0x0  }
0xe: {  	[sflag:s10] =	ssyncadd.s32 $0xFFFFF9D0  }
0xf: {  	[tilespmem:s11], [sflag:$0x1] =	stream.linear.gather [hbm4b:s7+s4], $0x40, $0x38;
	[tilespmem:$0x11098] =	vst v63  }
0x10: {  	_ =	swait.ge [sflag:s10], $0x40  }
0x11: {  	[sflag:s10] =	ssyncset.done $0x0  }
0x12: {  	s15 =	simm.s32 $0x0;
	s14 =	simm.s32 $0x180;
	[sflag:s10] =	ssyncadd.s32 $0xFFFFFFC0  }
.LBB2_2:
0x13: {  	p0 =	sne.s32 s14, $0x3000;
	[tilespmem:s15+$0xB9F0] =	vst v0  }
0x14: {  	[tilespmem:s15+$0x0] =	vst v0  }
0x15: {  	[tilespmem:s15+$0x40] =	vst v0  }
0x16: {  	[tilespmem:s15+$0x50] =	vst v0  }
0x17: {  	[tilespmem:s15+$0xC60] =	vst v0  }
0x18: {  	[tilespmem:s15+$0xCA0] =	vst v0  }
0x19: {  	[tilespmem:s15+$0xCB0] =	vst v0  }
0x1a: {  	[tilespmem:s15+$0x18C0] =	vst v0  }
0x1b: {  	[tilespmem:s15+$0x1900] =	vst v0  }
0x1c: {  	[tilespmem:s15+$0x1910] =	vst v0  }
0x1d: {  	[tilespmem:s15+$0x2520] =	vst v0  }
0x1e: {  	[tilespmem:s15+$0x2560] =	vst v0  }
0x1f: {  	[tilespmem:s15+$0x2570] =	vst v0  }
0x20: {  	[tilespmem:s15+$0x3180] =	vst v0  }
0x21: {  	[tilespmem:s15+$0x31C0] =	vst v0  }
0x22: {  	[tilespmem:s15+$0x31D0] =	vst v0  }
0x23: {  	[tilespmem:s15+$0x3DE0] =	vst v0  }
0x24: {  	[tilespmem:s15+$0x3E20] =	vst v0  }
0x25: {  	[tilespmem:s15+$0x3E30] =	vst v0  }
0x26: {  	[tilespmem:s15+$0x4A40] =	vst v0  }
0x27: {  	[tilespmem:s15+$0x4A80] =	vst v0  }
0x28: {  	[tilespmem:s15+$0x4A90] =	vst v0  }
0x29: {  	[tilespmem:s15+$0x56A0] =	vst v0  }
0x2a: {  	[tilespmem:s15+$0x56E0] =	vst v0  }
0x2b: {  	[tilespmem:s15+$0x56F0] =	vst v0  }
0x2c: {  	[tilespmem:s15+$0x6300] =	vst v0  }
0x2d: {  	[tilespmem:s15+$0x6340] =	vst v0  }
0x2e: {  	[tilespmem:s15+$0x6350] =	vst v0  }
0x2f: {  	[tilespmem:s15+$0x6F60] =	vst v0  }
0x30: {  	[tilespmem:s15+$0x6FA0] =	vst v0  }
0x31: {  	[tilespmem:s15+$0x6FB0] =	vst v0  }
0x32: {  	[tilespmem:s15+$0x7BC0] =	vst v0  }
0x33: {  	[tilespmem:s15+$0x7C00] =	vst v0  }
0x34: {  	[tilespmem:s15+$0x7C10] =	vst v0  }
0x35: {  	[tilespmem:s15+$0x8820] =	vst v0  }
0x36: {  	[tilespmem:s15+$0x8860] =	vst v0  }
0x37: {  	[tilespmem:s15+$0x8870] =	vst v0  }
0x38: {  	[tilespmem:s15+$0x9480] =	vst v0  }
0x39: {  	[tilespmem:s15+$0x94C0] =	vst v0  }
0x3a: {  	[tilespmem:s15+$0x94D0] =	vst v0  }
0x3b: {  	[tilespmem:s15+$0xA0E0] =	vst v0  }
0x3c: {  	[tilespmem:s15+$0xA120] =	vst v0  }
0x3d: {  	[tilespmem:s15+$0xA130] =	vst v0  }
.Ltmp0:
0x3e: {  	[tilespmem:s15+$0xAD40] =	vst v0;
	(pc) =	sbr.rel @p0 .LBB2_2-.Ltmp0, $4  }
0x3f: {  	[tilespmem:s15+$0xAD80] =	vst v0  }
0x40: {  	[tilespmem:s15+$0xAD90] =	vst v0  }
0x41: {  	[tilespmem:s15+$0xB9A0] =	vst v0  }
0x42: {  	[tilespmem:s15+$0xB9E0] =	vst v0;
	s15 =	sshra.s32 s14, $0x2;
	s14 =	sadd.s32 $0x180, s14  }
0x43: {  	[tilespmem:s15+$0xB9F0] =	vst v0  }
0x44: {  	[tilespmem:s15+$0x0] =	vst v0  }
0x45: {  	[tilespmem:s15+$0x40] =	vst v0  }
0x46: {  	[tilespmem:s15+$0x50] =	vst v0  }
0x47: {  	[tilespmem:s15+$0xC60] =	vst v0  }
0x48: {  	[tilespmem:s15+$0xCA0] =	vst v0  }
0x49: {  	[tilespmem:s15+$0xCB0] =	vst v0  }
0x4a: {  	[tilespmem:s15+$0x18C0] =	vst v0  }
0x4b: {  	[tilespmem:s15+$0x1900] =	vst v0  }
0x4c: {  	[tilespmem:s15+$0x1910] =	vst v0  }
0x4d: {  	[tilespmem:s15+$0x2520] =	vst v0  }
0x4e: {  	[tilespmem:s15+$0x2560] =	vst v0  }
0x4f: {  	[tilespmem:s15+$0x2570] =	vst v0  }
0x50: {  	[tilespmem:s15+$0x3180] =	vst v0  }
0x51: {  	[tilespmem:s15+$0x31C0] =	vst v0  }
0x52: {  	[tilespmem:s15+$0x31D0] =	vst v0  }
0x53: {  	[tilespmem:s15+$0x3DE0] =	vst v0  }
0x54: {  	[tilespmem:s15+$0x3E20] =	vst v0  }
0x55: {  	[tilespmem:s15+$0x3E30] =	vst v0  }
0x56: {  	[tilespmem:s15+$0x4A40] =	vst v0  }
0x57: {  	[tilespmem:s15+$0x4A80] =	vst v0  }
0x58: {  	[tilespmem:s15+$0x4A90] =	vst v0  }
0x59: {  	[tilespmem:s15+$0x56A0] =	vst v0  }
0x5a: {  	[tilespmem:s15+$0x56E0] =	vst v0  }
0x5b: {  	[tilespmem:s15+$0x56F0] =	vst v0  }
0x5c: {  	[tilespmem:s15+$0x6300] =	vst v0  }
0x5d: {  	[tilespmem:s15+$0x6340] =	vst v0  }
0x5e: {  	[tilespmem:s15+$0x6350] =	vst v0  }
0x5f: {  	[tilespmem:s15+$0x6F60] =	vst v0  }
0x60: {  	[tilespmem:s15+$0x6FA0] =	vst v0  }
0x61: {  	[tilespmem:s15+$0x6FB0] =	vst v0  }
0x62: {  	[tilespmem:s15+$0x7BC0] =	vst v0  }
0x63: {  	[tilespmem:s15+$0x7C00] =	vst v0  }
0x64: {  	[tilespmem:s15+$0x7C10] =	vst v0  }
0x65: {  	[tilespmem:s15+$0x8820] =	vst v0  }
0x66: {  	[tilespmem:s15+$0x8860] =	vst v0  }
0x67: {  	[tilespmem:s15+$0x8870] =	vst v0  }
0x68: {  	[tilespmem:s15+$0x9480] =	vst v0  }
0x69: {  	[tilespmem:s15+$0x94C0] =	vst v0  }
0x6a: {  	[tilespmem:s15+$0x94D0] =	vst v0  }
0x6b: {  	[tilespmem:s15+$0xA0E0] =	vst v0  }
0x6c: {  	[tilespmem:s15+$0xA120] =	vst v0  }
0x6d: {  	[tilespmem:s15+$0xA130] =	vst v0  }
0x6e: {  	[tilespmem:s15+$0xAD40] =	vst v0  }
0x6f: {  	[tilespmem:s15+$0xAD80] =	vst v0  }
0x70: {  	[tilespmem:s15+$0xAD90] =	vst v0  }
0x71: {  	[tilespmem:s15+$0xB9A0] =	vst v0  }
0x72: {  	s14 =	simm.s32 $0x0;
	[tilespmem:s15+$0xB9E0] =	vst v0  }
.LBB2_4:
0x73: {  	s2 =	sshll.u32 s14, $0x4  }
0x74: {  	s2 =	sand.u32 $0x3FFFFFF0, s2  }
0x75: {  	v1 =	vld [tilespmem:s2+$0x10A28];
	_ =	sdelay $0x4  }
0x76: {  	(v2sf) =	vpush v1, $0x0  }
0x77: {  	(v2sf) =	vpush v1, $0x1  }
0x78: {  	(v2sf) =	vpush v1, $0x2  }
0x79: {  	(v2sf) =	vpush v1, $0x3;
	_ =	sdelay $0xb  }
0x7a: {  	s15 =	spop (v2sf)  }
0x7b: {  	s16 =	spop (v2sf)  }
0x7c: {  	s30 =	sor.u32 s5, s14;
	s17 =	spop (v2sf)  }
0x7d: {  	s18 =	sshll.u32 s30, $0x13;
	s19 =	spop (v2sf)  }
0x7e: {  	s20 =	sshll.u32 s15, $0x7;
	s17 =	sadd.s32 s18, s17;
	s31 =	sand.u32 $0x7, s19  }
0x7f: {  	p1 =	por $0x1, $0x1;
	s17 =	sadd.s32 s20, s17;
	v1 =	vmov s31  }
0x80: {  	s18 =	sand.u32 $0xFFFFFFF8, s19;
	s19 =	smul.u32 $0x8820, s30;
	s20 =	simm.s32 $0x0  }
.LBB2_5:
0x81: {  	s2 =	sshll.u32 s20, $0x12  }
0x82: {  	s2 =	sadd.s32 s2, s17  }
0x83: {  	p0 =	por p1, p1;
	s2 =	sshrl.u32 s2, $0x3  }
0x84: {  	s22 =	simm.s32 $0x0;
	s23 =	simm.s32 $0x10;
	s21 =	sadd.s32 s1, s2  }
.LBB2_6:
0x85: {  	s2 =	sshll.u32 s22, $0xB  }
0x86: {  	s25 =	simm.s32 $0x10;
	s24 =	sadd.s32 s2, s21  }
0x87: {  	s26 =	sadd.s32 $0x60, s23;
	s28 =	smov.u32 s23;
	s2 =	sadd.s32 $0x0, s24  }
.LBB2_7:
0x88: {  	[tilespmem:s28], [sflag:$0x1] =	stream.linear.gather [hbm4b:s2+s4], $0x30, $0x38;
	[tilespmem:$0x11098] =	vst v63  }
0x89: {  	s2 =	smov.u32 s25;
	s28 =	smov.u32 s26;
	p1 =	sne.s32 s25, $0x200  }
.Ltmp1:
0x8a: {  	s25 =	sadd.s32 $0x10, s25;
	(pc) =	sbr.rel @p1 .LBB2_7-.Ltmp1, $2  }
0x8b: {  	_ =	sdelay $0x2  }
0x8c: {  	s26 =	sadd.s32 $0x60, s26;
	s2 =	sadd.s32 s2, s24  }
0x8d: {  	s22 =	sadd.s32 $0x1, s22  }
0x8e: {  	p1 =	sne.s32 s22, $0x10  }
.Ltmp2:
0x8f: {  	_ = 	snop;
	(pc) =	sbr.rel @p1 .LBB2_6-.Ltmp2, $3  }
0x90: {  	_ =	sdelay $0x1  }
0x91: {  	[tilespmem:s28], [sflag:$0x1] =	stream.linear.gather [hbm4b:s2+s4], $0x30, $0x38;
	[tilespmem:$0x11098] =	vst v63  }
0x92: {  	s23 =	sadd.s32 $0xC60, s23  }
0x93: {  	_ =	swait.ge [sflag:s10], $0x6300  }
0x94: {  	s21 =	simm.s32 $0x0;
	[sflag:s10] =	ssyncset.done $0x0  }
0x95: {  	s22 =	simm.s32 $0xC600;
	s23 =	simm.s32 $0x0;
	[sflag:s10] =	ssyncadd.s32 $0xFFFF9D00  }
.LBB2_10:
0x96: {  	p1 =	sgt.s32 s16, $0x0;
	s2 =	smov.u32 s16  }
0x97: {  	s2 =	simm.s32 @!p1 $0x0  }
0x98: {  	s24 =	smul.u32 $0x3180, s23;
	s2 =	smin.u32 s2, $0x20  }
0x99: {  	s2 =	smul.u32 $0x180, s2  }
0x9a: {  	s25 =	simm.s32 $0x10A78;
	s24 =	sshra.s32 s24, $0x2  }
0x9b: {  	v3 =	vld [tilespmem:s25+$0xFFFFFFF0];
	s24 =	sadd.s32 s24, s18;
	s2 =	sshrl.u32 s2, $0x2  }
0x9c: {  	s2 =	sadd.s32 s2, s24  }
0x9d: {  	s26 =	sadd.s32 s16, s15;
	v4 =	vld.idx.msk [tilespmem:v1+s2+$0x10 ss:$0x1], $0xffff  }
0x9e: {  	p1 =	slt.u32 s26, $0x80;
	s26 =	simm.f32 $1.000000000e+00  }
0x9f: {  	v2 =	vmov s22;
	s26 =	simm.s32 @!p1 $0x0  }
0xa0: {  	v3 =	vmul.f32 s26, v3;
	_ =	sdelay $0x1  }
0xa1: {  	v3 =	vmul.f32 v3, v4  }
0xa2: {  	s28 =	simm.s32 $0x0  }
0xa3: {  	[tilespmem:v2+s28+$0x0 ss:$0x1] =	vst.idx.msk $0xffff, v3  }
0xa4: {  	v3 =	vld [tilespmem:s25+$0x0];
	_ =	sdelay $0x1  }
0xa5: {  	v4 =	vld.idx.msk [tilespmem:v1+s2+$0x20 ss:$0x1], $0xffff;
	_ =	sdelay $0x2  }
0xa6: {  	v3 =	vmul.f32 s26, v3;
	_ =	sdelay $0x1  }
0xa7: {  	v3 =	vmul.f32 v3, v4  }
0xa8: {  	s31 =	sand.u32 $0x7FFF, s21  }
0xa9: {  	[tilespmem:s31+$0xC610] =	vst v3  }
0xaa: {  	v3 =	vld [tilespmem:s25+$0x10];
	_ =	sdelay $0x1  }
0xab: {  	v4 =	vld.idx.msk [tilespmem:v1+s2+$0x30 ss:$0x1], $0xffff  }
0xac: {  	s28 =	sadd.s32 $0x1, s16  }
0xad: {  	p1 =	sgt.s32 s28, $0x0;
	s2 =	smov.u32 s28  }
0xae: {  	s2 =	simm.s32 @!p1 $0x0;
	v3 =	vmul.f32 s26, v3  }
0xaf: {  	s29 =	simm.s32 $0x84;
	s2 =	smin.u32 s2, $0x20  }
0xb0: {  	s30 =	simm.s32 $0x108;
	s2 =	smul.u32 $0x180, s2;
	s26 =	smov.u32 s21;
	v3 =	vmul.f32 v3, v4  }
.LBB2_11:
0xb1: {  	s26 =	sadd.s32 $0x21, s26  }
0xb2: {  	s25 =	sadd.s32 $0x30, s25;
	s2 =	sshrl.u32 s2, $0x2;
	[tilespmem:s31+$0xC620] =	vst v3;
	s31 =	smov.u32 s30  }
0xb3: {  	p1 =	sne.s32 s30, $0x1080;
	s30 =	sadd.s32 $0x84, s30;
	v3 =	vld [tilespmem:s25+$0xFFFFFFF0];
	s2 =	sadd.s32 s2, s24  }
0xb4: {  	v4 =	vld.idx.msk [tilespmem:v1+s2+$0x10 ss:$0x1], $0xffff  }
0xb5: {  	s0 =	sadd.s32 s28, s15  }
0xb6: {  	p2 =	slt.u32 s0, $0x80;
	s0 =	simm.f32 $1.000000000e+00  }
0xb7: {  	s0 =	simm.s32 @!p2 $0x0  }
0xb8: {  	v3 =	vmul.f32 s0, v3;
	_ =	sdelay $0x1  }
0xb9: {  	v3 =	vmul.f32 v3, v4  }
0xba: {  	s9 =	sshra.s32 s29, $0x2;
	s29 =	smov.u32 s31  }
0xbb: {  	[tilespmem:v2+s9+$0x0 ss:$0x1] =	vst.idx.msk $0xffff, v3  }
0xbc: {  	v3 =	vld [tilespmem:s25+$0x0]  }
0xbd: {  	v4 =	vld.idx.msk [tilespmem:v1+s2+$0x20 ss:$0x1], $0xffff;
	_ =	sdelay $0x3  }
0xbe: {  	v3 =	vmul.f32 s0, v3;
	_ =	sdelay $0x1  }
0xbf: {  	v3 =	vmul.f32 v3, v4  }
0xc0: {  	s31 =	sand.u32 $0x7FFF, s26  }
0xc1: {  	[tilespmem:s31+$0xC610] =	vst v3  }
0xc2: {  	v3 =	vld [tilespmem:s25+$0x10]  }
0xc3: {  	v4 =	vld.idx.msk [tilespmem:v1+s2+$0x30 ss:$0x1], $0xffff;
	_ =	sdelay $0x1  }
.Ltmp3:
0xc4: {  	s28 =	sadd.s32 $0x1, s28;
	(pc) =	sbr.rel @p1 .LBB2_11-.Ltmp3, $4  }
0xc5: {  	p2 =	sgt.s32 s28, $0x0;
	s2 =	smov.u32 s28  }
0xc6: {  	s2 =	simm.s32 @!p2 $0x0;
	v3 =	vmul.f32 s0, v3  }
0xc7: {  	s0 =	smin.u32 s2, $0x20  }
0xc8: {  	s2 =	smul.u32 $0x180, s0;
	v3 =	vmul.f32 v3, v4  }
0xc9: {  	_ = 	snop  }
0xca: {  	s0 =	sadd.s32 $0x30, s25;
	[tilespmem:s31+$0xC620] =	vst v3  }
0xcb: {  	s2 =	sshrl.u32 s2, $0x2;
	v3 =	vld [tilespmem:s0+$0xFFFFFFF0]  }
0xcc: {  	s2 =	sadd.s32 s2, s24  }
0xcd: {  	s9 =	sadd.s32 s28, s15;
	v4 =	vld.idx.msk [tilespmem:v1+s2+$0x10 ss:$0x1], $0xffff  }
0xce: {  	p1 =	slt.u32 s9, $0x80;
	s9 =	simm.f32 $1.000000000e+00  }
0xcf: {  	s9 =	simm.s32 @!p1 $0x0  }
0xd0: {  	v3 =	vmul.f32 s9, v3;
	_ =	sdelay $0x1  }
0xd1: {  	v3 =	vmul.f32 v3, v4  }
0xd2: {  	s30 =	sshra.s32 s29, $0x2  }
0xd3: {  	[tilespmem:v2+s30+$0x0 ss:$0x1] =	vst.idx.msk $0xffff, v3  }
0xd4: {  	v2 =	vld [tilespmem:s0+$0x0];
	_ =	sdelay $0x1  }
0xd5: {  	v3 =	vld.idx.msk [tilespmem:v1+s2+$0x20 ss:$0x1], $0xffff;
	_ =	sdelay $0x2  }
0xd6: {  	v2 =	vmul.f32 s9, v2;
	_ =	sdelay $0x1  }
0xd7: {  	s31 =	sadd.s32 $0x21, s26;
	v2 =	vmul.f32 v2, v3  }
0xd8: {  	s24 =	sand.u32 $0x7FFF, s31  }
0xd9: {  	[tilespmem:s24+$0xC610] =	vst v2  }
0xda: {  	v2 =	vld [tilespmem:s0+$0x10];
	_ =	sdelay $0x1  }
0xdb: {  	v3 =	vld.idx.msk [tilespmem:v1+s2+$0x30 ss:$0x1], $0xffff  }
0xdc: {  	s23 =	sadd.s32 $0x1, s23  }
0xdd: {  	p1 =	sne.s32 s23, $0x10  }
.Ltmp4:
0xde: {  	v2 =	vmul.f32 s9, v2;
	(pc) =	sbr.rel @p1 .LBB2_10-.Ltmp4, $3  }
0xdf: {  	_ = 	snop  }
0xe0: {  	v2 =	vmul.f32 v2, v3;
	_ =	sdelay $0x1  }
0xe1: {  	s21 =	sadd.s32 $0x441, s21;
	s22 =	sadd.s32 $0x441, s22;
	[tilespmem:s24+$0xC620] =	vst v2  }
0xe2: {  	s0 =	smul.u32 $0x4410, s20;
	_ =	sdelay $0x1  }
0xe3: {  	s0 =	sadd.s32 s19, s0  }
0xe4: {  	s0 =	sshrl.u32 s0, $0x3  }
.Ltmp5:
0xe5: {  	s20 =	simm.s32 $0x1;
	s0 =	sadd.s32 s3, s0;
	(pc) =	sbr.rel @p0 .LBB2_5-.Ltmp5, $4  }
0xe6: {  	[hbm4b:s0+s4] =	stream.linear.scatter [tilespmem:s12], [sflag:$0x1], $0x4410, $0x38;
	[tilespmem:$0x11098] =	vst v63  }
0xe7: {  	_ =	swait.ge [sflag:s20], $0x4410  }
0xe8: {  	[sflag:s20] =	ssyncset.done $0x0  }
0xe9: {  	p1 =	por $0x0, $0x0;
	[sflag:s20] =	ssyncadd.s32 $0xFFFFBBF0  }
0xea: {  	s14 =	sadd.s32 $0x1, s14  }
0xeb: {  	p0 =	sne.s32 s14, $0x4  }
.Ltmp6:
0xec: {  	_ = 	snop;
	(pc) =	sbr.rel @p0 .LBB2_4-.Ltmp6, $1  }
0xed: {  	_ =	sdelay $0x3  }
0xee: {  	s13 =	sadd.s32 $0x1, s13  }
0xef: {  	p0 =	sne.s32 s13, s8  }
.Ltmp7:
0xf0: {  	_ = 	snop;
	(pc) =	sbr.rel @p0 .LBB2_1-.Ltmp7, $1  }
0xf1: {  	_ =	sdelay $0x3  }
0xf2: {  	_ =	sfence.sel $0x180000  }
0xf3: {  	[bflag:$0x0] =	sbarrier.arrive $0xFFFF  }
0xf4: {  	_ =	strace $0x90000047  }
0xf5: {  	s0 =	stileid.u32;
	[bflag:$0x2] =	sbarrier.arrive $0xFFFF  }
0xf6: {  	p0 =	sne.s32 s0, $0x0;
	s0 =	rddreg [dreg:$0x3]  }
0xf7: {  	s0 =	sadd.s32 @!p0 $0x100000, s0  }
0xf8: {  	[sflag:s0] =	ssyncadd.tile.s32 @!p0 $0x1;
	_ =	shalt  }
.Lfunc_end2:
_tile_overlayer_lowered:
.L_overlay_start_2:
0xf9: {  	(tag) =	ssettag $0x2  }
0xfa: {  	s0 =	rddreg [dreg:$0x0];
	s2 =	stileid.u32  }
0xfb: {  	s1 =	rddreg [dreg:$0x1];
	p0 =	sne.s32 s2, $0x0  }
0xfc: {  	s3 =	rddreg [dreg:$0x2];
	[bflag:$0x3] =	sbarrier.arrive $0xFFFF;
	s2 =	simm.s32 @!p0 $0x1C01  }
0xfd: {  	[timem:s3], [sflag:s2] =	dma.local @!p0 [hbm:s0], s1  }
0xfe: {  	s0 =	simm.s32 @!p0 $0x1  }
0xff: {  	_ =	swait.ge @!p0 [sflag:s0], s1  }
0x100: {  	s1 =	ssub.s32 @!p0 $0x0, s1;
	[sflag:s0] =	ssyncset.done @!p0 $0x0  }
0x101: {  	[sflag:s0] =	ssyncadd.s32 @!p0 s1  }
0x102: {  	[bflag:$0x3] =	sbarrier.arrive $0xFFFF  }
0x103: {  	_ =	shalt  }

</sc_bundles>
